<compile_context>
chip_gen: v7x
topology: tpu7x:2x2x1
jax: 0.10.2.dev20260603
libtpu: 0.0.44.dev20260713+nightly
codegen_flags: <defaults>
</compile_context>

<pallas_src>
import functools

import jax
import jax.numpy as jnp
from jax import lax
from jax.experimental import pallas as pl
from jax.experimental.pallas import tpu as pltpu
from jax.experimental.pallas import tpu_sc as plsc

LANES = 16
NBUF = 2


def kernel(inputs, token_table, pos_table):
    B, T = inputs.shape
    V, E = token_table.shape

    info = plsc.get_sparse_core_info()
    nc, ns = info.num_cores, info.num_subcores
    nw = nc * ns

    seq_per_w = B // nw
    n_groups = seq_per_w // NBUF
    assert B % (nw * NBUF) == 0 and E % LANES == 0 and T % 8 == 0

    mesh = plsc.VectorSubcoreMesh(core_axis_name="c", subcore_axis_name="s")

    @functools.partial(
        pl.kernel,
        mesh=mesh,
        out_type=jax.ShapeDtypeStruct((B, T, E), jnp.float32),
        scratch_types=[
            pltpu.VMEM((seq_per_w, T), jnp.int32),
            [pltpu.VMEM((T, 2 * E), jnp.float32) for _ in range(NBUF)],
            pltpu.VMEM((T, E), jnp.float32),
            [pltpu.SemaphoreType.DMA for _ in range(NBUF)],
            [pltpu.SemaphoreType.DMA for _ in range(NBUF)],
        ],
        compiler_params=pltpu.CompilerParams(use_tc_tiling_on_sc=False),
    )
    def run(idx_hbm, tt_hbm, pos_hbm, out_hbm, idx_v, bufs, pos_v,
            sem_g, sem_st):
        wid = lax.axis_index("s") * nc + lax.axis_index("c")
        base = wid * seq_per_w
        pltpu.sync_copy(pos_hbm, pos_v)
        pltpu.sync_copy(idx_hbm.at[pl.ds(base, seq_per_w)], idx_v)

        def start_gather(c, b):
            pltpu.async_copy(tt_hbm.at[idx_v.at[c]], bufs[b], sem_g[b])

        def wait_gather(b):
            pltpu.make_async_copy(
                tt_hbm.at[pl.ds(0, T)], bufs[b], sem_g[b]).wait()

        def start_store(c, b):
            pltpu.async_copy(
                bufs[b].at[:, pl.ds(0, E)], out_hbm.at[base + c], sem_st[b])

        def wait_store(b):
            pltpu.make_async_copy(
                bufs[b].at[:, pl.ds(0, E)], out_hbm.at[0], sem_st[b]).wait()

        for b in range(NBUF):
            start_gather(b, b)

        def group(g, carry):
            for b in range(NBUF):
                c = g * NBUF + b
                wait_gather(b)

                @plsc.parallel_loop(0, T, unroll=8)
                def addrow(r):
                    for k in range(E // LANES):
                        sl = pl.ds(k * LANES, LANES)
                        bufs[b][r, sl] = bufs[b][r, sl] + pos_v[r, sl]

                start_store(c, b)
                if b == 0:
                    @pl.when(g >= 1)
                    def _():
                        wait_store(NBUF - 1)
                        start_gather(g * NBUF + NBUF - 1, NBUF - 1)
                else:
                    @pl.when(g <= n_groups - 2)
                    def _():
                        wait_store(b - 1)
                        start_gather((g + 1) * NBUF + b - 1, b - 1)
            return carry

        lax.fori_loop(0, n_groups, group, 0)
        for b in range(NBUF):
            wait_store(b)

    padded = jnp.pad(token_table.astype(jnp.float32), ((0, 0), (0, E)))
    return run(inputs.astype(jnp.int32), padded,
               pos_table.astype(jnp.float32))

# --- scband reference (transcript-rebuilt; emitter-appended) ---
"""Pipeline reference for scband-token-and-position-embedding-61203283968512 (READ-ONLY COPY).

The authoritative reference and input builder live on the scoring server;
editing this copy changes nothing except your own understanding.
"""

import jax, jax.numpy as jnp
import numpy as np

VOCAB = 1000000
MAXLEN = 200
EMBED = 64
BATCH = 4096

def setup_inputs(seed: int = 0) -> dict:
    key = jax.random.key(seed)
    k1, k2, k3 = jax.random.split(key, 3)
    inputs = jax.random.randint(k1, (BATCH, MAXLEN), 0, VOCAB, dtype=jnp.int64 if jax.config.read('jax_enable_x64') else jnp.int32)
    token_table = jax.random.normal(k2, (VOCAB, EMBED), dtype=jnp.float32) * 0.02
    pos_table = jax.random.normal(k3, (MAXLEN, EMBED), dtype=jnp.float32) * 0.02
    return {"inputs": inputs, "token_table": token_table, "pos_table": pos_table}

def reference(inputs, token_table, pos_table):
    # positions = pos_emb(range(maxlen))
    maxlen = inputs.shape[-1]
    positions = jnp.take(pos_table, jnp.arange(maxlen), axis=0)  # [maxlen, embed]
    token_embeddings = jnp.take(token_table, inputs, axis=0)      # [B, maxlen, embed]
    return token_embeddings + positions[None, :, :]

if __name__ == "__main__":
    import jax
    _d = setup_inputs()
    print(jax.jit(kernel)(*tuple(_d.values())))

</pallas_src>

<mosaic_0001>
#map = affine_map<(d0, d1) -> (0, 0)>
#map1 = affine_map<(d0, d1) -> (0, 0, 0)>
module attributes {stable_mosaic.version = 14 : i64} {
  func.func @run(%arg0: i32, %arg1: i32, %arg2: memref<4096x200xi32, #tpu.memory_space<hbm>>, %arg3: memref<1000000x128xf32, #tpu.memory_space<hbm>>, %arg4: memref<200x64xf32, #tpu.memory_space<hbm>>, %arg5: memref<4096x200x64xf32, #tpu.memory_space<hbm>>, %arg6: memref<128x200xi32, #tpu.memory_space<vmem>>, %arg7: memref<200x128xf32, #tpu.memory_space<vmem>>, %arg8: memref<200x128xf32, #tpu.memory_space<vmem>>, %arg9: memref<200x64xf32, #tpu.memory_space<vmem>>, %arg10: memref<!tpu.dma_semaphore, #tpu.memory_space<semaphore_mem>>, %arg11: memref<!tpu.dma_semaphore, #tpu.memory_space<semaphore_mem>>, %arg12: memref<!tpu.dma_semaphore, #tpu.memory_space<semaphore_mem>>, %arg13: memref<!tpu.dma_semaphore, #tpu.memory_space<semaphore_mem>>) attributes {dimension_semantics = [#tpu.dimension_semantics<core_parallel>, #tpu.dimension_semantics<subcore_parallel>], iteration_bounds = array<i64: 2, 16>, scalar_prefetch = 0 : i64, scratch_operands = 8 : i64, tpu.core_type = #tpu.core_type<sc_vector_subcore>, window_params = [{transform_indices = #map}, {transform_indices = #map}, {transform_indices = #map}, {transform_indices = #map1}]} {
    %mul3A = arith.constant 2 : i32
    %mul3A_0 = arith.muli %arg1, %mul3A : i32
    %add3A = arith.addi %mul3A_0, %arg0 : i32
    %mul3A_1 = arith.constant 128 : i32
    %mul3A_2 = arith.muli %add3A, %mul3A_1 : i32
    "tpu.region"() ({
      %run_scoped3A = tpu.sem_alloc : memref<!tpu.dma_semaphore, #tpu.memory_space<semaphore_mem>>
      tpu.enqueue_dma source(%arg4 : memref<200x64xf32, #tpu.memory_space<hbm>>) target(%arg9 : memref<200x64xf32, #tpu.memory_space<vmem>>) target_semaphore(%run_scoped3A : memref<!tpu.dma_semaphore, #tpu.memory_space<semaphore_mem>>)
      tpu.wait_dma2 semaphore(%run_scoped3A : memref<!tpu.dma_semaphore, #tpu.memory_space<semaphore_mem>>) src(%arg4 : memref<200x64xf32, #tpu.memory_space<hbm>>) dst(%arg9 : memref<200x64xf32, #tpu.memory_space<vmem>>)
      tpu.yield
    }) : () -> ()
    "tpu.region"() ({
      %run_scoped3A = tpu.sem_alloc : memref<!tpu.dma_semaphore, #tpu.memory_space<semaphore_mem>>
      %dma_start3A_50 = arith.constant 0 : i32
      %dma_start3A_51 = tpu.memref_slice %arg2[%mul3A_2, %dma_start3A_50] : memref<4096x200xi32, #tpu.memory_space<hbm>> -> memref<128x200xi32, #tpu.memory_space<hbm>>
      %dma_start3A_52 = arith.constant 0 : i32
      %dma_start3A_53 = tpu.memref_slice %arg2[%mul3A_2, %dma_start3A_52] : memref<4096x200xi32, #tpu.memory_space<hbm>> -> memref<128x200xi32, #tpu.memory_space<hbm>>
      tpu.enqueue_dma source(%dma_start3A_53 : memref<128x200xi32, #tpu.memory_space<hbm>>) target(%arg6 : memref<128x200xi32, #tpu.memory_space<vmem>>) target_semaphore(%run_scoped3A : memref<!tpu.dma_semaphore, #tpu.memory_space<semaphore_mem>>)
      %dma_wait3A_54 = arith.constant 0 : i32
      %dma_wait3A_55 = tpu.memref_slice %arg2[%mul3A_2, %dma_wait3A_54] : memref<4096x200xi32, #tpu.memory_space<hbm>> -> memref<128x200xi32, #tpu.memory_space<hbm>>
      %dma_wait3A_56 = arith.constant 0 : i32
      %dma_wait3A_57 = tpu.memref_slice %arg2[%mul3A_2, %dma_wait3A_56] : memref<4096x200xi32, #tpu.memory_space<hbm>> -> memref<128x200xi32, #tpu.memory_space<hbm>>
      tpu.wait_dma2 semaphore(%run_scoped3A : memref<!tpu.dma_semaphore, #tpu.memory_space<semaphore_mem>>) src(%dma_wait3A_57 : memref<128x200xi32, #tpu.memory_space<hbm>>) dst(%arg6 : memref<128x200xi32, #tpu.memory_space<vmem>>)
      tpu.yield
    }) : () -> ()
    %dma_start3A = arith.constant 0 : i32
    %dma_start3A_3 = arith.constant 0 : i32
    %dma_start3A_4 = tpu.memref_slice %arg6[%dma_start3A, %dma_start3A_3] : memref<128x200xi32, #tpu.memory_space<vmem>> -> memref<1x200xi32, #tpu.memory_space<vmem>>
    %dma_start3A_5 = tpu.memref_squeeze %dma_start3A_4 : memref<1x200xi32, #tpu.memory_space<vmem>> -> memref<200xi32, #tpu.memory_space<vmem>>
    %dma_start3A_6 = arith.constant 0 : i32
    %dma_start3A_7 = arith.constant 0 : i32
    %dma_start3A_8 = tpu.memref_slice %arg3[%dma_start3A_6, %dma_start3A_7] : memref<1000000x128xf32, #tpu.memory_space<hbm>> -> memref<1000000x128xf32, #tpu.memory_space<hbm>>
    tpu.enqueue_indirect_dma source(%dma_start3A_8 : memref<1000000x128xf32, #tpu.memory_space<hbm>>) target(%arg7 : memref<200x128xf32, #tpu.memory_space<vmem>>) offsets(%dma_start3A_5 : memref<200xi32, #tpu.memory_space<vmem>>) semaphore(%arg10 : memref<!tpu.dma_semaphore, #tpu.memory_space<semaphore_mem>>)
    %dma_start3A_9 = arith.constant 1 : i32
    %dma_start3A_10 = arith.constant 0 : i32
    %dma_start3A_11 = tpu.memref_slice %arg6[%dma_start3A_9, %dma_start3A_10] : memref<128x200xi32, #tpu.memory_space<vmem>> -> memref<1x200xi32, #tpu.memory_space<vmem>>
    %dma_start3A_12 = tpu.memref_squeeze %dma_start3A_11 : memref<1x200xi32, #tpu.memory_space<vmem>> -> memref<200xi32, #tpu.memory_space<vmem>>
    %dma_start3A_13 = arith.constant 0 : i32
    %dma_start3A_14 = arith.constant 0 : i32
    %dma_start3A_15 = tpu.memref_slice %arg3[%dma_start3A_13, %dma_start3A_14] : memref<1000000x128xf32, #tpu.memory_space<hbm>> -> memref<1000000x128xf32, #tpu.memory_space<hbm>>
    tpu.enqueue_indirect_dma source(%dma_start3A_15 : memref<1000000x128xf32, #tpu.memory_space<hbm>>) target(%arg8 : memref<200x128xf32, #tpu.memory_space<vmem>>) offsets(%dma_start3A_12 : memref<200xi32, #tpu.memory_space<vmem>>) semaphore(%arg11 : memref<!tpu.dma_semaphore, #tpu.memory_space<semaphore_mem>>)
    %scan3A = arith.constant 0 : i32
    %scan3A_16 = arith.constant 0 : i32
    %scan3A_17 = arith.constant 64 : i32
    %scan3A_18 = arith.addi %scan3A_16, %scan3A_17 : i32
    %scan3A_19 = arith.constant 1 : i32
    scf.for %scan3A_50 = %scan3A_16 to %scan3A_18 step %scan3A_19  : i32 {
      %mul3A_51 = arith.constant 2 : i32
      %mul3A_52 = arith.muli %scan3A_50, %mul3A_51 : i32
      %add3A_53 = arith.constant 0 : i32
      %add3A_54 = arith.addi %mul3A_52, %add3A_53 : i32
      %dma_wait3A_55 = arith.constant 0 : i32
      %dma_wait3A_56 = arith.constant 0 : i32
      %dma_wait3A_57 = tpu.memref_slice %arg3[%dma_wait3A_55, %dma_wait3A_56] : memref<1000000x128xf32, #tpu.memory_space<hbm>> -> memref<200x128xf32, #tpu.memory_space<hbm>>
      %dma_wait3A_58 = arith.constant 0 : i32
      %dma_wait3A_59 = arith.constant 0 : i32
      %dma_wait3A_60 = tpu.memref_slice %arg3[%dma_wait3A_58, %dma_wait3A_59] : memref<1000000x128xf32, #tpu.memory_space<hbm>> -> memref<200x128xf32, #tpu.memory_space<hbm>>
      tpu.wait_dma2 semaphore(%arg10 : memref<!tpu.dma_semaphore, #tpu.memory_space<semaphore_mem>>) src(%dma_wait3A_60 : memref<200x128xf32, #tpu.memory_space<hbm>>) dst(%arg7 : memref<200x128xf32, #tpu.memory_space<vmem>>)
      %parallel_loop3A = arith.constant 0 : i32
      %parallel_loop3A_61 = arith.constant 200 : i32
      %parallel_loop3A_62 = arith.constant 1 : i32
      scf.for %parallel_loop3A_112 = %parallel_loop3A to %parallel_loop3A_61 step %parallel_loop3A_62  : i32 {
        %parallel_loop3A_113 = arith.index_cast %parallel_loop3A_112 : i32 to index
        %parallel_loop3A_114 = arith.constant 0 : index
        %parallel_loop3A_115 = tpu.vector_load %arg7[%parallel_loop3A_113, %parallel_loop3A_114] {strides = array<i32>} : memref<200x128xf32, #tpu.memory_space<vmem>>, vector<1x16xf32>,
        %parallel_loop3A_116 = vector.shape_cast %parallel_loop3A_115 : vector<1x16xf32> to vector<16xf32>
        %parallel_loop3A_117 = arith.index_cast %parallel_loop3A_112 : i32 to index
        %parallel_loop3A_118 = arith.constant 0 : index
        %parallel_loop3A_119 = tpu.vector_load %arg9[%parallel_loop3A_117, %parallel_loop3A_118] {strides = array<i32>} : memref<200x64xf32, #tpu.memory_space<vmem>>, vector<1x16xf32>,
        %parallel_loop3A_120 = vector.shape_cast %parallel_loop3A_119 : vector<1x16xf32> to vector<16xf32>
        %parallel_loop3A_121 = arith.addf %parallel_loop3A_116, %parallel_loop3A_120 : vector<16xf32>
        %parallel_loop3A_122 = arith.index_cast %parallel_loop3A_112 : i32 to index
        %parallel_loop3A_123 = arith.constant 0 : index
        %parallel_loop3A_124 = tpu.vector_load %arg7[%parallel_loop3A_122, %parallel_loop3A_123] {strides = array<i32>} : memref<200x128xf32, #tpu.memory_space<vmem>>, vector<1x16xf32>,
        %parallel_loop3A_125 = vector.shape_cast %parallel_loop3A_124 : vector<1x16xf32> to vector<16xf32>
        %parallel_loop3A_126 = vector.shape_cast %parallel_loop3A_121 : vector<16xf32> to vector<1x16xf32>
        tpu.vector_store %arg7[%parallel_loop3A_122, %parallel_loop3A_123], %parallel_loop3A_126 {strides = array<i32>} : memref<200x128xf32, #tpu.memory_space<vmem>>, vector<1x16xf32>,
        %parallel_loop3A_127 = arith.index_cast %parallel_loop3A_112 : i32 to index
        %parallel_loop3A_128 = arith.constant 16 : index
        %parallel_loop3A_129 = tpu.vector_load %arg7[%parallel_loop3A_127, %parallel_loop3A_128] {strides = array<i32>} : memref<200x128xf32, #tpu.memory_space<vmem>>, vector<1x16xf32>,
        %parallel_loop3A_130 = vector.shape_cast %parallel_loop3A_129 : vector<1x16xf32> to vector<16xf32>
        %parallel_loop3A_131 = arith.index_cast %parallel_loop3A_112 : i32 to index
        %parallel_loop3A_132 = arith.constant 16 : index
        %parallel_loop3A_133 = tpu.vector_load %arg9[%parallel_loop3A_131, %parallel_loop3A_132] {strides = array<i32>} : memref<200x64xf32, #tpu.memory_space<vmem>>, vector<1x16xf32>,
        %parallel_loop3A_134 = vector.shape_cast %parallel_loop3A_133 : vector<1x16xf32> to vector<16xf32>
        %parallel_loop3A_135 = arith.addf %parallel_loop3A_130, %parallel_loop3A_134 : vector<16xf32>
        %parallel_loop3A_136 = arith.index_cast %parallel_loop3A_112 : i32 to index
        %parallel_loop3A_137 = arith.constant 16 : index
        %parallel_loop3A_138 = tpu.vector_load %arg7[%parallel_loop3A_136, %parallel_loop3A_137] {strides = array<i32>} : memref<200x128xf32, #tpu.memory_space<vmem>>, vector<1x16xf32>,
        %parallel_loop3A_139 = vector.shape_cast %parallel_loop3A_138 : vector<1x16xf32> to vector<16xf32>
        %parallel_loop3A_140 = vector.shape_cast %parallel_loop3A_135 : vector<16xf32> to vector<1x16xf32>
        tpu.vector_store %arg7[%parallel_loop3A_136, %parallel_loop3A_137], %parallel_loop3A_140 {strides = array<i32>} : memref<200x128xf32, #tpu.memory_space<vmem>>, vector<1x16xf32>,
        %parallel_loop3A_141 = arith.index_cast %parallel_loop3A_112 : i32 to index
        %parallel_loop3A_142 = arith.constant 32 : index
        %parallel_loop3A_143 = tpu.vector_load %arg7[%parallel_loop3A_141, %parallel_loop3A_142] {strides = array<i32>} : memref<200x128xf32, #tpu.memory_space<vmem>>, vector<1x16xf32>,
        %parallel_loop3A_144 = vector.shape_cast %parallel_loop3A_143 : vector<1x16xf32> to vector<16xf32>
        %parallel_loop3A_145 = arith.index_cast %parallel_loop3A_112 : i32 to index
        %parallel_loop3A_146 = arith.constant 32 : index
        %parallel_loop3A_147 = tpu.vector_load %arg9[%parallel_loop3A_145, %parallel_loop3A_146] {strides = array<i32>} : memref<200x64xf32, #tpu.memory_space<vmem>>, vector<1x16xf32>,
        %parallel_loop3A_148 = vector.shape_cast %parallel_loop3A_147 : vector<1x16xf32> to vector<16xf32>
        %parallel_loop3A_149 = arith.addf %parallel_loop3A_144, %parallel_loop3A_148 : vector<16xf32>
        %parallel_loop3A_150 = arith.index_cast %parallel_loop3A_112 : i32 to index
        %parallel_loop3A_151 = arith.constant 32 : index
        %parallel_loop3A_152 = tpu.vector_load %arg7[%parallel_loop3A_150, %parallel_loop3A_151] {strides = array<i32>} : memref<200x128xf32, #tpu.memory_space<vmem>>, vector<1x16xf32>,
        %parallel_loop3A_153 = vector.shape_cast %parallel_loop3A_152 : vector<1x16xf32> to vector<16xf32>
        %parallel_loop3A_154 = vector.shape_cast %parallel_loop3A_149 : vector<16xf32> to vector<1x16xf32>
        tpu.vector_store %arg7[%parallel_loop3A_150, %parallel_loop3A_151], %parallel_loop3A_154 {strides = array<i32>} : memref<200x128xf32, #tpu.memory_space<vmem>>, vector<1x16xf32>,
        %parallel_loop3A_155 = arith.index_cast %parallel_loop3A_112 : i32 to index
        %parallel_loop3A_156 = arith.constant 48 : index
        %parallel_loop3A_157 = tpu.vector_load %arg7[%parallel_loop3A_155, %parallel_loop3A_156] {strides = array<i32>} : memref<200x128xf32, #tpu.memory_space<vmem>>, vector<1x16xf32>,
        %parallel_loop3A_158 = vector.shape_cast %parallel_loop3A_157 : vector<1x16xf32> to vector<16xf32>
        %parallel_loop3A_159 = arith.index_cast %parallel_loop3A_112 : i32 to index
        %parallel_loop3A_160 = arith.constant 48 : index
        %parallel_loop3A_161 = tpu.vector_load %arg9[%parallel_loop3A_159, %parallel_loop3A_160] {strides = array<i32>} : memref<200x64xf32, #tpu.memory_space<vmem>>, vector<1x16xf32>,
        %parallel_loop3A_162 = vector.shape_cast %parallel_loop3A_161 : vector<1x16xf32> to vector<16xf32>
        %parallel_loop3A_163 = arith.addf %parallel_loop3A_158, %parallel_loop3A_162 : vector<16xf32>
        %parallel_loop3A_164 = arith.index_cast %parallel_loop3A_112 : i32 to index
        %parallel_loop3A_165 = arith.constant 48 : index
        %parallel_loop3A_166 = tpu.vector_load %arg7[%parallel_loop3A_164, %parallel_loop3A_165] {strides = array<i32>} : memref<200x128xf32, #tpu.memory_space<vmem>>, vector<1x16xf32>,
        %parallel_loop3A_167 = vector.shape_cast %parallel_loop3A_166 : vector<1x16xf32> to vector<16xf32>
        %parallel_loop3A_168 = vector.shape_cast %parallel_loop3A_163 : vector<16xf32> to vector<1x16xf32>
        tpu.vector_store %arg7[%parallel_loop3A_164, %parallel_loop3A_165], %parallel_loop3A_168 {strides = array<i32>} : memref<200x128xf32, #tpu.memory_space<vmem>>, vector<1x16xf32>,
      } {sc.loop_unroll_factor = 8 : i64, sc.parallel_access}
      %add3A_63 = arith.addi %mul3A_2, %add3A_54 : i32
      %dma_start3A_64 = arith.constant 0 : i32
      %dma_start3A_65 = arith.constant 0 : i32
      %dma_start3A_66 = tpu.memref_slice %arg7[%dma_start3A_64, %dma_start3A_65] : memref<200x128xf32, #tpu.memory_space<vmem>> -> memref<200x64xf32, #tpu.memory_space<vmem>>
      %dma_start3A_67 = arith.constant 0 : i32
      %dma_start3A_68 = arith.constant 0 : i32
      %dma_start3A_69 = tpu.memref_slice %arg5[%add3A_63, %dma_start3A_67, %dma_start3A_68] : memref<4096x200x64xf32, #tpu.memory_space<hbm>> -> memref<1x200x64xf32, #tpu.memory_space<hbm>>
      %dma_start3A_70 = tpu.memref_squeeze %dma_start3A_69 : memref<1x200x64xf32, #tpu.memory_space<hbm>> -> memref<200x64xf32, #tpu.memory_space<hbm>>
      %dma_start3A_71 = arith.constant 0 : i32
      %dma_start3A_72 = arith.constant 0 : i32
      %dma_start3A_73 = tpu.memref_slice %arg5[%add3A_63, %dma_start3A_71, %dma_start3A_72] : memref<4096x200x64xf32, #tpu.memory_space<hbm>> -> memref<1x200x64xf32, #tpu.memory_space<hbm>>
      %dma_start3A_74 = tpu.memref_squeeze %dma_start3A_73 : memref<1x200x64xf32, #tpu.memory_space<hbm>> -> memref<200x64xf32, #tpu.memory_space<hbm>>
      %dma_start3A_75 = arith.constant 0 : i32
      %dma_start3A_76 = arith.constant 0 : i32
      %dma_start3A_77 = tpu.memref_slice %arg7[%dma_start3A_75, %dma_start3A_76] : memref<200x128xf32, #tpu.memory_space<vmem>> -> memref<200x64xf32, #tpu.memory_space<vmem>>
      tpu.enqueue_dma source(%dma_start3A_77 : memref<200x64xf32, #tpu.memory_space<vmem>>) target(%dma_start3A_74 : memref<200x64xf32, #tpu.memory_space<hbm>>) target_semaphore(%arg12 : memref<!tpu.dma_semaphore, #tpu.memory_space<semaphore_mem>>)
      %ge3A = arith.constant 1 : i32
      %ge3A_78 = arith.cmpi sge, %scan3A_50, %ge3A : i32
      %convert_element_type3A = arith.extui %ge3A_78 : i1 to i32
      %cond3A = arith.constant 0 : i32
      %cond3A_79 = arith.cmpi ne, %convert_element_type3A, %cond3A : i32
      scf.if %cond3A_79 {
        %dma_wait3A_112 = arith.constant 0 : i32
        %dma_wait3A_113 = arith.constant 0 : i32
        %dma_wait3A_114 = arith.constant 0 : i32
        %dma_wait3A_115 = tpu.memref_slice %arg8[%dma_wait3A_113, %dma_wait3A_114] : memref<200x128xf32, #tpu.memory_space<vmem>> -> memref<200x64xf32, #tpu.memory_space<vmem>>
        %dma_wait3A_116 = arith.constant 0 : i32
        %dma_wait3A_117 = arith.constant 0 : i32
        %dma_wait3A_118 = tpu.memref_slice %arg5[%dma_wait3A_112, %dma_wait3A_116, %dma_wait3A_117] : memref<4096x200x64xf32, #tpu.memory_space<hbm>> -> memref<1x200x64xf32, #tpu.memory_space<hbm>>
        %dma_wait3A_119 = tpu.memref_squeeze %dma_wait3A_118 : memref<1x200x64xf32, #tpu.memory_space<hbm>> -> memref<200x64xf32, #tpu.memory_space<hbm>>
        %dma_wait3A_120 = arith.constant 0 : i32
        %dma_wait3A_121 = arith.constant 0 : i32
        %dma_wait3A_122 = tpu.memref_slice %arg5[%dma_wait3A_112, %dma_wait3A_120, %dma_wait3A_121] : memref<4096x200x64xf32, #tpu.memory_space<hbm>> -> memref<1x200x64xf32, #tpu.memory_space<hbm>>
        %dma_wait3A_123 = tpu.memref_squeeze %dma_wait3A_122 : memref<1x200x64xf32, #tpu.memory_space<hbm>> -> memref<200x64xf32, #tpu.memory_space<hbm>>
        %dma_wait3A_124 = arith.constant 0 : i32
        %dma_wait3A_125 = arith.constant 0 : i32
        %dma_wait3A_126 = tpu.memref_slice %arg8[%dma_wait3A_124, %dma_wait3A_125] : memref<200x128xf32, #tpu.memory_space<vmem>> -> memref<200x64xf32, #tpu.memory_space<vmem>>
        tpu.wait_dma2 semaphore(%arg13 : memref<!tpu.dma_semaphore, #tpu.memory_space<semaphore_mem>>) src(%dma_wait3A_126 : memref<200x64xf32, #tpu.memory_space<vmem>>) dst(%dma_wait3A_123 : memref<200x64xf32, #tpu.memory_space<hbm>>)
        %mul3A_127 = arith.constant 2 : i32
        %mul3A_128 = arith.muli %scan3A_50, %mul3A_127 : i32
        %add3A_129 = arith.constant 2 : i32
        %add3A_130 = arith.addi %mul3A_128, %add3A_129 : i32
        %sub3A = arith.constant 1 : i32
        %sub3A_131 = arith.subi %add3A_130, %sub3A : i32
        %dma_start3A_132 = arith.constant 0 : i32
        %dma_start3A_133 = tpu.memref_slice %arg6[%sub3A_131, %dma_start3A_132] : memref<128x200xi32, #tpu.memory_space<vmem>> -> memref<1x200xi32, #tpu.memory_space<vmem>>
        %dma_start3A_134 = tpu.memref_squeeze %dma_start3A_133 : memref<1x200xi32, #tpu.memory_space<vmem>> -> memref<200xi32, #tpu.memory_space<vmem>>
        %dma_start3A_135 = arith.constant 0 : i32
        %dma_start3A_136 = arith.constant 0 : i32
        %dma_start3A_137 = tpu.memref_slice %arg3[%dma_start3A_135, %dma_start3A_136] : memref<1000000x128xf32, #tpu.memory_space<hbm>> -> memref<1000000x128xf32, #tpu.memory_space<hbm>>
        tpu.enqueue_indirect_dma source(%dma_start3A_137 : memref<1000000x128xf32, #tpu.memory_space<hbm>>) target(%arg8 : memref<200x128xf32, #tpu.memory_space<vmem>>) offsets(%dma_start3A_134 : memref<200xi32, #tpu.memory_space<vmem>>) semaphore(%arg11 : memref<!tpu.dma_semaphore, #tpu.memory_space<semaphore_mem>>)
      } else {
      }
      %mul3A_80 = arith.constant 2 : i32
      %mul3A_81 = arith.muli %scan3A_50, %mul3A_80 : i32
      %add3A_82 = arith.constant 1 : i32
      %add3A_83 = arith.addi %mul3A_81, %add3A_82 : i32
      %dma_wait3A_84 = arith.constant 0 : i32
      %dma_wait3A_85 = arith.constant 0 : i32
      %dma_wait3A_86 = tpu.memref_slice %arg3[%dma_wait3A_84, %dma_wait3A_85] : memref<1000000x128xf32, #tpu.memory_space<hbm>> -> memref<200x128xf32, #tpu.memory_space<hbm>>
      %dma_wait3A_87 = arith.constant 0 : i32
      %dma_wait3A_88 = arith.constant 0 : i32
      %dma_wait3A_89 = tpu.memref_slice %arg3[%dma_wait3A_87, %dma_wait3A_88] : memref<1000000x128xf32, #tpu.memory_space<hbm>> -> memref<200x128xf32, #tpu.memory_space<hbm>>
      tpu.wait_dma2 semaphore(%arg11 : memref<!tpu.dma_semaphore, #tpu.memory_space<semaphore_mem>>) src(%dma_wait3A_89 : memref<200x128xf32, #tpu.memory_space<hbm>>) dst(%arg8 : memref<200x128xf32, #tpu.memory_space<vmem>>)
      %parallel_loop3A_90 = arith.constant 0 : i32
      %parallel_loop3A_91 = arith.constant 200 : i32
      %parallel_loop3A_92 = arith.constant 1 : i32
      scf.for %parallel_loop3A_112 = %parallel_loop3A_90 to %parallel_loop3A_91 step %parallel_loop3A_92  : i32 {
        %parallel_loop3A_113 = arith.index_cast %parallel_loop3A_112 : i32 to index
        %parallel_loop3A_114 = arith.constant 0 : index
        %parallel_loop3A_115 = tpu.vector_load %arg8[%parallel_loop3A_113, %parallel_loop3A_114] {strides = array<i32>} : memref<200x128xf32, #tpu.memory_space<vmem>>, vector<1x16xf32>,
        %parallel_loop3A_116 = vector.shape_cast %parallel_loop3A_115 : vector<1x16xf32> to vector<16xf32>
        %parallel_loop3A_117 = arith.index_cast %parallel_loop3A_112 : i32 to index
        %parallel_loop3A_118 = arith.constant 0 : index
        %parallel_loop3A_119 = tpu.vector_load %arg9[%parallel_loop3A_117, %parallel_loop3A_118] {strides = array<i32>} : memref<200x64xf32, #tpu.memory_space<vmem>>, vector<1x16xf32>,
        %parallel_loop3A_120 = vector.shape_cast %parallel_loop3A_119 : vector<1x16xf32> to vector<16xf32>
        %parallel_loop3A_121 = arith.addf %parallel_loop3A_116, %parallel_loop3A_120 : vector<16xf32>
        %parallel_loop3A_122 = arith.index_cast %parallel_loop3A_112 : i32 to index
        %parallel_loop3A_123 = arith.constant 0 : index
        %parallel_loop3A_124 = tpu.vector_load %arg8[%parallel_loop3A_122, %parallel_loop3A_123] {strides = array<i32>} : memref<200x128xf32, #tpu.memory_space<vmem>>, vector<1x16xf32>,
        %parallel_loop3A_125 = vector.shape_cast %parallel_loop3A_124 : vector<1x16xf32> to vector<16xf32>
        %parallel_loop3A_126 = vector.shape_cast %parallel_loop3A_121 : vector<16xf32> to vector<1x16xf32>
        tpu.vector_store %arg8[%parallel_loop3A_122, %parallel_loop3A_123], %parallel_loop3A_126 {strides = array<i32>} : memref<200x128xf32, #tpu.memory_space<vmem>>, vector<1x16xf32>,
        %parallel_loop3A_127 = arith.index_cast %parallel_loop3A_112 : i32 to index
        %parallel_loop3A_128 = arith.constant 16 : index
        %parallel_loop3A_129 = tpu.vector_load %arg8[%parallel_loop3A_127, %parallel_loop3A_128] {strides = array<i32>} : memref<200x128xf32, #tpu.memory_space<vmem>>, vector<1x16xf32>,
        %parallel_loop3A_130 = vector.shape_cast %parallel_loop3A_129 : vector<1x16xf32> to vector<16xf32>
        %parallel_loop3A_131 = arith.index_cast %parallel_loop3A_112 : i32 to index
        %parallel_loop3A_132 = arith.constant 16 : index
        %parallel_loop3A_133 = tpu.vector_load %arg9[%parallel_loop3A_131, %parallel_loop3A_132] {strides = array<i32>} : memref<200x64xf32, #tpu.memory_space<vmem>>, vector<1x16xf32>,
        %parallel_loop3A_134 = vector.shape_cast %parallel_loop3A_133 : vector<1x16xf32> to vector<16xf32>
        %parallel_loop3A_135 = arith.addf %parallel_loop3A_130, %parallel_loop3A_134 : vector<16xf32>
        %parallel_loop3A_136 = arith.index_cast %parallel_loop3A_112 : i32 to index
        %parallel_loop3A_137 = arith.constant 16 : index
        %parallel_loop3A_138 = tpu.vector_load %arg8[%parallel_loop3A_136, %parallel_loop3A_137] {strides = array<i32>} : memref<200x128xf32, #tpu.memory_space<vmem>>, vector<1x16xf32>,
        %parallel_loop3A_139 = vector.shape_cast %parallel_loop3A_138 : vector<1x16xf32> to vector<16xf32>
        %parallel_loop3A_140 = vector.shape_cast %parallel_loop3A_135 : vector<16xf32> to vector<1x16xf32>
        tpu.vector_store %arg8[%parallel_loop3A_136, %parallel_loop3A_137], %parallel_loop3A_140 {strides = array<i32>} : memref<200x128xf32, #tpu.memory_space<vmem>>, vector<1x16xf32>,
        %parallel_loop3A_141 = arith.index_cast %parallel_loop3A_112 : i32 to index
        %parallel_loop3A_142 = arith.constant 32 : index
        %parallel_loop3A_143 = tpu.vector_load %arg8[%parallel_loop3A_141, %parallel_loop3A_142] {strides = array<i32>} : memref<200x128xf32, #tpu.memory_space<vmem>>, vector<1x16xf32>,
        %parallel_loop3A_144 = vector.shape_cast %parallel_loop3A_143 : vector<1x16xf32> to vector<16xf32>
        %parallel_loop3A_145 = arith.index_cast %parallel_loop3A_112 : i32 to index
        %parallel_loop3A_146 = arith.constant 32 : index
        %parallel_loop3A_147 = tpu.vector_load %arg9[%parallel_loop3A_145, %parallel_loop3A_146] {strides = array<i32>} : memref<200x64xf32, #tpu.memory_space<vmem>>, vector<1x16xf32>,
        %parallel_loop3A_148 = vector.shape_cast %parallel_loop3A_147 : vector<1x16xf32> to vector<16xf32>
        %parallel_loop3A_149 = arith.addf %parallel_loop3A_144, %parallel_loop3A_148 : vector<16xf32>
        %parallel_loop3A_150 = arith.index_cast %parallel_loop3A_112 : i32 to index
        %parallel_loop3A_151 = arith.constant 32 : index
        %parallel_loop3A_152 = tpu.vector_load %arg8[%parallel_loop3A_150, %parallel_loop3A_151] {strides = array<i32>} : memref<200x128xf32, #tpu.memory_space<vmem>>, vector<1x16xf32>,
        %parallel_loop3A_153 = vector.shape_cast %parallel_loop3A_152 : vector<1x16xf32> to vector<16xf32>
        %parallel_loop3A_154 = vector.shape_cast %parallel_loop3A_149 : vector<16xf32> to vector<1x16xf32>
        tpu.vector_store %arg8[%parallel_loop3A_150, %parallel_loop3A_151], %parallel_loop3A_154 {strides = array<i32>} : memref<200x128xf32, #tpu.memory_space<vmem>>, vector<1x16xf32>,
        %parallel_loop3A_155 = arith.index_cast %parallel_loop3A_112 : i32 to index
        %parallel_loop3A_156 = arith.constant 48 : index
        %parallel_loop3A_157 = tpu.vector_load %arg8[%parallel_loop3A_155, %parallel_loop3A_156] {strides = array<i32>} : memref<200x128xf32, #tpu.memory_space<vmem>>, vector<1x16xf32>,
        %parallel_loop3A_158 = vector.shape_cast %parallel_loop3A_157 : vector<1x16xf32> to vector<16xf32>
        %parallel_loop3A_159 = arith.index_cast %parallel_loop3A_112 : i32 to index
        %parallel_loop3A_160 = arith.constant 48 : index
        %parallel_loop3A_161 = tpu.vector_load %arg9[%parallel_loop3A_159, %parallel_loop3A_160] {strides = array<i32>} : memref<200x64xf32, #tpu.memory_space<vmem>>, vector<1x16xf32>,
        %parallel_loop3A_162 = vector.shape_cast %parallel_loop3A_161 : vector<1x16xf32> to vector<16xf32>
        %parallel_loop3A_163 = arith.addf %parallel_loop3A_158, %parallel_loop3A_162 : vector<16xf32>
        %parallel_loop3A_164 = arith.index_cast %parallel_loop3A_112 : i32 to index
        %parallel_loop3A_165 = arith.constant 48 : index
        %parallel_loop3A_166 = tpu.vector_load %arg8[%parallel_loop3A_164, %parallel_loop3A_165] {strides = array<i32>} : memref<200x128xf32, #tpu.memory_space<vmem>>, vector<1x16xf32>,
        %parallel_loop3A_167 = vector.shape_cast %parallel_loop3A_166 : vector<1x16xf32> to vector<16xf32>
        %parallel_loop3A_168 = vector.shape_cast %parallel_loop3A_163 : vector<16xf32> to vector<1x16xf32>
        tpu.vector_store %arg8[%parallel_loop3A_164, %parallel_loop3A_165], %parallel_loop3A_168 {strides = array<i32>} : memref<200x128xf32, #tpu.memory_space<vmem>>, vector<1x16xf32>,
      } {sc.loop_unroll_factor = 8 : i64, sc.parallel_access}
      %add3A_93 = arith.addi %mul3A_2, %add3A_83 : i32
      %dma_start3A_94 = arith.constant 0 : i32
      %dma_start3A_95 = arith.constant 0 : i32
      %dma_start3A_96 = tpu.memref_slice %arg8[%dma_start3A_94, %dma_start3A_95] : memref<200x128xf32, #tpu.memory_space<vmem>> -> memref<200x64xf32, #tpu.memory_space<vmem>>
      %dma_start3A_97 = arith.constant 0 : i32
      %dma_start3A_98 = arith.constant 0 : i32
      %dma_start3A_99 = tpu.memref_slice %arg5[%add3A_93, %dma_start3A_97, %dma_start3A_98] : memref<4096x200x64xf32, #tpu.memory_space<hbm>> -> memref<1x200x64xf32, #tpu.memory_space<hbm>>
      %dma_start3A_100 = tpu.memref_squeeze %dma_start3A_99 : memref<1x200x64xf32, #tpu.memory_space<hbm>> -> memref<200x64xf32, #tpu.memory_space<hbm>>
      %dma_start3A_101 = arith.constant 0 : i32
      %dma_start3A_102 = arith.constant 0 : i32
      %dma_start3A_103 = tpu.memref_slice %arg5[%add3A_93, %dma_start3A_101, %dma_start3A_102] : memref<4096x200x64xf32, #tpu.memory_space<hbm>> -> memref<1x200x64xf32, #tpu.memory_space<hbm>>
      %dma_start3A_104 = tpu.memref_squeeze %dma_start3A_103 : memref<1x200x64xf32, #tpu.memory_space<hbm>> -> memref<200x64xf32, #tpu.memory_space<hbm>>
      %dma_start3A_105 = arith.constant 0 : i32
      %dma_start3A_106 = arith.constant 0 : i32
      %dma_start3A_107 = tpu.memref_slice %arg8[%dma_start3A_105, %dma_start3A_106] : memref<200x128xf32, #tpu.memory_space<vmem>> -> memref<200x64xf32, #tpu.memory_space<vmem>>
      tpu.enqueue_dma source(%dma_start3A_107 : memref<200x64xf32, #tpu.memory_space<vmem>>) target(%dma_start3A_104 : memref<200x64xf32, #tpu.memory_space<hbm>>) target_semaphore(%arg13 : memref<!tpu.dma_semaphore, #tpu.memory_space<semaphore_mem>>)
      %le3A = arith.constant 62 : i32
      %le3A_108 = arith.cmpi sle, %scan3A_50, %le3A : i32
      %convert_element_type3A_109 = arith.extui %le3A_108 : i1 to i32
      %cond3A_110 = arith.constant 0 : i32
      %cond3A_111 = arith.cmpi ne, %convert_element_type3A_109, %cond3A_110 : i32
      scf.if %cond3A_111 {
        %dma_wait3A_112 = arith.constant 0 : i32
        %dma_wait3A_113 = arith.constant 0 : i32
        %dma_wait3A_114 = arith.constant 0 : i32
        %dma_wait3A_115 = tpu.memref_slice %arg7[%dma_wait3A_113, %dma_wait3A_114] : memref<200x128xf32, #tpu.memory_space<vmem>> -> memref<200x64xf32, #tpu.memory_space<vmem>>
        %dma_wait3A_116 = arith.constant 0 : i32
        %dma_wait3A_117 = arith.constant 0 : i32
        %dma_wait3A_118 = tpu.memref_slice %arg5[%dma_wait3A_112, %dma_wait3A_116, %dma_wait3A_117] : memref<4096x200x64xf32, #tpu.memory_space<hbm>> -> memref<1x200x64xf32, #tpu.memory_space<hbm>>
        %dma_wait3A_119 = tpu.memref_squeeze %dma_wait3A_118 : memref<1x200x64xf32, #tpu.memory_space<hbm>> -> memref<200x64xf32, #tpu.memory_space<hbm>>
        %dma_wait3A_120 = arith.constant 0 : i32
        %dma_wait3A_121 = arith.constant 0 : i32
        %dma_wait3A_122 = tpu.memref_slice %arg5[%dma_wait3A_112, %dma_wait3A_120, %dma_wait3A_121] : memref<4096x200x64xf32, #tpu.memory_space<hbm>> -> memref<1x200x64xf32, #tpu.memory_space<hbm>>
        %dma_wait3A_123 = tpu.memref_squeeze %dma_wait3A_122 : memref<1x200x64xf32, #tpu.memory_space<hbm>> -> memref<200x64xf32, #tpu.memory_space<hbm>>
        %dma_wait3A_124 = arith.constant 0 : i32
        %dma_wait3A_125 = arith.constant 0 : i32
        %dma_wait3A_126 = tpu.memref_slice %arg7[%dma_wait3A_124, %dma_wait3A_125] : memref<200x128xf32, #tpu.memory_space<vmem>> -> memref<200x64xf32, #tpu.memory_space<vmem>>
        tpu.wait_dma2 semaphore(%arg12 : memref<!tpu.dma_semaphore, #tpu.memory_space<semaphore_mem>>) src(%dma_wait3A_126 : memref<200x64xf32, #tpu.memory_space<vmem>>) dst(%dma_wait3A_123 : memref<200x64xf32, #tpu.memory_space<hbm>>)
        %add3A_127 = arith.constant 1 : i32
        %add3A_128 = arith.addi %scan3A_50, %add3A_127 : i32
        %mul3A_129 = arith.constant 2 : i32
        %mul3A_130 = arith.muli %add3A_128, %mul3A_129 : i32
        %add3A_131 = arith.constant 1 : i32
        %add3A_132 = arith.addi %mul3A_130, %add3A_131 : i32
        %sub3A = arith.constant 1 : i32
        %sub3A_133 = arith.subi %add3A_132, %sub3A : i32
        %dma_start3A_134 = arith.constant 0 : i32
        %dma_start3A_135 = tpu.memref_slice %arg6[%sub3A_133, %dma_start3A_134] : memref<128x200xi32, #tpu.memory_space<vmem>> -> memref<1x200xi32, #tpu.memory_space<vmem>>
        %dma_start3A_136 = tpu.memref_squeeze %dma_start3A_135 : memref<1x200xi32, #tpu.memory_space<vmem>> -> memref<200xi32, #tpu.memory_space<vmem>>
        %dma_start3A_137 = arith.constant 0 : i32
        %dma_start3A_138 = arith.constant 0 : i32
        %dma_start3A_139 = tpu.memref_slice %arg3[%dma_start3A_137, %dma_start3A_138] : memref<1000000x128xf32, #tpu.memory_space<hbm>> -> memref<1000000x128xf32, #tpu.memory_space<hbm>>
        tpu.enqueue_indirect_dma source(%dma_start3A_139 : memref<1000000x128xf32, #tpu.memory_space<hbm>>) target(%arg7 : memref<200x128xf32, #tpu.memory_space<vmem>>) offsets(%dma_start3A_136 : memref<200xi32, #tpu.memory_space<vmem>>) semaphore(%arg10 : memref<!tpu.dma_semaphore, #tpu.memory_space<semaphore_mem>>)
      } else {
      }
    }
    %scan3A_20 = arith.constant 64 : i32
    %dma_wait3A = arith.constant 0 : i32
    %dma_wait3A_21 = arith.constant 0 : i32
    %dma_wait3A_22 = arith.constant 0 : i32
    %dma_wait3A_23 = tpu.memref_slice %arg7[%dma_wait3A_21, %dma_wait3A_22] : memref<200x128xf32, #tpu.memory_space<vmem>> -> memref<200x64xf32, #tpu.memory_space<vmem>>
    %dma_wait3A_24 = arith.constant 0 : i32
    %dma_wait3A_25 = arith.constant 0 : i32
    %dma_wait3A_26 = tpu.memref_slice %arg5[%dma_wait3A, %dma_wait3A_24, %dma_wait3A_25] : memref<4096x200x64xf32, #tpu.memory_space<hbm>> -> memref<1x200x64xf32, #tpu.memory_space<hbm>>
    %dma_wait3A_27 = tpu.memref_squeeze %dma_wait3A_26 : memref<1x200x64xf32, #tpu.memory_space<hbm>> -> memref<200x64xf32, #tpu.memory_space<hbm>>
    %dma_wait3A_28 = arith.constant 0 : i32
    %dma_wait3A_29 = arith.constant 0 : i32
    %dma_wait3A_30 = tpu.memref_slice %arg5[%dma_wait3A, %dma_wait3A_28, %dma_wait3A_29] : memref<4096x200x64xf32, #tpu.memory_space<hbm>> -> memref<1x200x64xf32, #tpu.memory_space<hbm>>
    %dma_wait3A_31 = tpu.memref_squeeze %dma_wait3A_30 : memref<1x200x64xf32, #tpu.memory_space<hbm>> -> memref<200x64xf32, #tpu.memory_space<hbm>>
    %dma_wait3A_32 = arith.constant 0 : i32
    %dma_wait3A_33 = arith.constant 0 : i32
    %dma_wait3A_34 = tpu.memref_slice %arg7[%dma_wait3A_32, %dma_wait3A_33] : memref<200x128xf32, #tpu.memory_space<vmem>> -> memref<200x64xf32, #tpu.memory_space<vmem>>
    tpu.wait_dma2 semaphore(%arg12 : memref<!tpu.dma_semaphore, #tpu.memory_space<semaphore_mem>>) src(%dma_wait3A_34 : memref<200x64xf32, #tpu.memory_space<vmem>>) dst(%dma_wait3A_31 : memref<200x64xf32, #tpu.memory_space<hbm>>)
    %dma_wait3A_35 = arith.constant 0 : i32
    %dma_wait3A_36 = arith.constant 0 : i32
    %dma_wait3A_37 = arith.constant 0 : i32
    %dma_wait3A_38 = tpu.memref_slice %arg8[%dma_wait3A_36, %dma_wait3A_37] : memref<200x128xf32, #tpu.memory_space<vmem>> -> memref<200x64xf32, #tpu.memory_space<vmem>>
    %dma_wait3A_39 = arith.constant 0 : i32
    %dma_wait3A_40 = arith.constant 0 : i32
    %dma_wait3A_41 = tpu.memref_slice %arg5[%dma_wait3A_35, %dma_wait3A_39, %dma_wait3A_40] : memref<4096x200x64xf32, #tpu.memory_space<hbm>> -> memref<1x200x64xf32, #tpu.memory_space<hbm>>
    %dma_wait3A_42 = tpu.memref_squeeze %dma_wait3A_41 : memref<1x200x64xf32, #tpu.memory_space<hbm>> -> memref<200x64xf32, #tpu.memory_space<hbm>>
    %dma_wait3A_43 = arith.constant 0 : i32
    %dma_wait3A_44 = arith.constant 0 : i32
    %dma_wait3A_45 = tpu.memref_slice %arg5[%dma_wait3A_35, %dma_wait3A_43, %dma_wait3A_44] : memref<4096x200x64xf32, #tpu.memory_space<hbm>> -> memref<1x200x64xf32, #tpu.memory_space<hbm>>
    %dma_wait3A_46 = tpu.memref_squeeze %dma_wait3A_45 : memref<1x200x64xf32, #tpu.memory_space<hbm>> -> memref<200x64xf32, #tpu.memory_space<hbm>>
    %dma_wait3A_47 = arith.constant 0 : i32
    %dma_wait3A_48 = arith.constant 0 : i32
    %dma_wait3A_49 = tpu.memref_slice %arg8[%dma_wait3A_47, %dma_wait3A_48] : memref<200x128xf32, #tpu.memory_space<vmem>> -> memref<200x64xf32, #tpu.memory_space<vmem>>
    tpu.wait_dma2 semaphore(%arg13 : memref<!tpu.dma_semaphore, #tpu.memory_space<semaphore_mem>>) src(%dma_wait3A_49 : memref<200x64xf32, #tpu.memory_space<vmem>>) dst(%dma_wait3A_46 : memref<200x64xf32, #tpu.memory_space<hbm>>)
    return
  }
}

</mosaic_0001>

<sc_bundles>
// kernel: kernel.3.cloned.1.call-start
scs
__scs_entry_jumppad:
0x0: {  	(pc) =	sbr.rel $0x88, $3  }
0x1: {  	(tag) =	ssettag $0x0;
	lr =	simm.s32 $0x1  }
0x2: {  	[smem:$0x3F9E] =	sst lr;
	_ =	strace $0xD0000000  }
0x3: {  	_ = 	snop  }
0x4: {  	_ = 	snop  }
0x5: {  	_ = 	snop  }
0x6: {  	_ = 	snop  }
0x7: {  	_ = 	snop  }
__scs_overlays_trampoline_lowered:
0x8: {  	[smem:$0x3FAD] =	sst s0  }
0x9: {  	[smem:$0x3FAE] =	sst s1  }
0xa: {  	[smem:$0x3FAF] =	sst s2  }
0xb: {  	[smem:$0x3FB0] =	sst s3  }
0xc: {  	[smem:$0x3FB1] =	sst s4  }
0xd: {  	[smem:$0x3FB2] =	sst s5  }
0xe: {  	[smem:$0x3FB3] =	sst s6  }
0xf: {  	[smem:$0x3FB4] =	sst s7  }
0x10: {  	[smem:$0x3FB5] =	sst s8  }
0x11: {  	[smem:$0x3FB6] =	sst s9;
	s0 =	simm.s32 @!p0 $0x0  }
0x12: {  	s1 =	sld [smem:$0x3F9C];
	s0 =	simm.s32 @p0 $0x1  }
0x13: {  	[smem:$0x3FB7] =	sst s0;
	s0 =	simm.s32 @!p1 $0x0  }
0x14: {  	s2 =	sld [smem:$0x3F9B];
	s0 =	simm.s32 @p1 $0x1  }
0x15: {  	[smem:$0x3FB8] =	sst s0;
	s0 =	simm.s32 @!p2 $0x0  }
0x16: {  	s3 =	sld [smem:$0x3FDB];
	s0 =	simm.s32 @p2 $0x1  }
0x17: {  	s4 =	simm.s32 $0x1BF5;
	[smem:$0x3FBA] =	sst s0  }
0x18: {  	s0 =	sld [smem:$0x3F9D];
	_ =	swait.ge [sflag:s4], $0x0  }
0x19: {  	s7 =	sld [smem:$0x3F9E]  }
0x1a: {  	s8 =	sadd.s32 $0xFFFFE003, lr  }
0x1b: {  	s9 =	sadd.s32 $0xFFFFFEF7, lr;
	s5 =	simm.s32 $0xFFFFFFFF;
	p2 =	slt.u32 s8, $0xFFFFF086  }
0x1c: {  	p1 =	slt.u32 s9, $0xF7A;
	s5 =	simm.s32 @!p2 $0x0  }
0x1d: {  	s5 =	simm.s32 @p1 $0x1;
	p0 =	seq.s32 s7, s2  }
0x1e: {  	s7 =	smul.u32 @!p0 $0xF7A, s2;
	p2 =	seq.s32 @!p0 s5, $0x0  }
0x1f: {  	s9 =	smul.u32 $0xF7A, s1;
	s8 =	simm.s32 @!p0 $0x1BF5;
	p2 =	por !p2, p0  }
0x20: {  	[sflag:s8] =	ssyncset.s32 @!p0 $0xFFFFF086;
	s6 =	sadd.s32 @!p0 s3, s7;
	s7 =	simm.s32 @!p0 $0x108  }
0x21: {  	s3 =	sadd.s32 s3, s9;
	s6 =	sadd.s32 @!p0 $0x88, s6;
	s7 =	simm.s32 @p2 $0x1082  }
0x22: {  	[simem:s7], [sflag:s8] =	dma.local @!p0 [hbm:s6], $0xF7A  }
0x23: {  	s9 =	sor.u32 $0xD0000000, s2;
	s6 =	simm.s32 $0x108;
	_ =	swait.ge @!p0 [sflag:s8], $0x0  }
0x24: {  	s3 =	sadd.s32 $0x88, s3;
	s6 =	simm.s32 @!p1 $0x1082;
	[sflag:s4] =	ssyncset.s32 $0xFFFFF086  }
0x25: {  	[simem:s6], [sflag:s4] =	dma.local [hbm:s3], $0xF7A  }
0x26: {  	[smem:$0x3F9E] =	sst s1;
	(tag) =	ssettag s2;
	_ =	strace s9  }
0x27: {  	s1 =	sld [smem:$0x3FAE]  }
0x28: {  	s2 =	sld [smem:$0x3FAF]  }
0x29: {  	s4 =	sld [smem:$0x3FB1]  }
0x2a: {  	p0 =	seq.s32 s5, $0x0;
	s5 =	sld [smem:$0x3FB2]  }
0x2b: {  	s6 =	sld [smem:$0x3FB3]  }
0x2c: {  	s7 =	sld [smem:$0x3FB4]  }
0x2d: {  	s3 =	simm.s32 $0x108;
	s8 =	sld [smem:$0x3FB5]  }
0x2e: {  	s3 =	simm.s32 @!p0 $0x1082;
	s9 =	sld [smem:$0x3FB6]  }
0x2f: {  	lr =	sadd.s32 s0, s3;
	s0 =	sld [smem:$0x3FAD]  }
0x30: {  	s3 =	sld [smem:$0x3FB0]  }
0x31: {  	[smem:$0x3FB9] =	sst s10  }
0x32: {  	s10 =	sld [smem:$0x3FB7];
	_ =	sdelay $0x3  }
0x33: {  	p0 =	seq.s32 s10, $0x1;
	s10 =	sld [smem:$0x3FB9];
	_ =	sdelay $0x3  }
0x34: {  	[smem:$0x3FB9] =	sst s10  }
0x35: {  	s10 =	sld [smem:$0x3FB8];
	_ =	sdelay $0x3  }
0x36: {  	p1 =	seq.s32 s10, $0x1;
	s10 =	sld [smem:$0x3FB9];
	_ =	sdelay $0x3  }
0x37: {  	[smem:$0x3FB9] =	sst s10  }
0x38: {  	s10 =	sld [smem:$0x3FBA]  }
0x39: {  	_ = 	snop;
	(pc) =	sbr.ind lr, $3  }
0x3a: {  	_ = 	snop  }
0x3b: {  	_ = 	snop  }
0x3c: {  	p2 =	seq.s32 s10, $0x1;
	s10 =	sld [smem:$0x3FB9]  }
0x3d: {  	_ =	shalt  }
0x3e: {  	_ =	shalt  }
0x3f: {  	_ =	shalt  }
0x40: {  	_ =	shalt  }
0x41: {  	_ =	shalt  }
0x42: {  	_ =	shalt  }
0x43: {  	_ =	shalt  }
0x44: {  	_ =	shalt  }
0x45: {  	_ =	shalt  }
0x46: {  	_ =	shalt  }
0x47: {  	_ =	shalt  }
0x48: {  	_ =	shalt  }
0x49: {  	_ =	shalt  }
0x4a: {  	_ =	shalt  }
0x4b: {  	_ =	shalt  }
0x4c: {  	_ =	shalt  }
0x4d: {  	_ =	shalt  }
0x4e: {  	_ =	shalt  }
0x4f: {  	_ =	shalt  }
0x50: {  	_ =	shalt  }
0x51: {  	_ =	shalt  }
0x52: {  	_ =	shalt  }
0x53: {  	_ =	shalt  }
0x54: {  	_ =	shalt  }
0x55: {  	_ =	shalt  }
0x56: {  	_ =	shalt  }
0x57: {  	_ =	shalt  }
0x58: {  	_ =	shalt  }
0x59: {  	_ =	shalt  }
0x5a: {  	_ =	shalt  }
0x5b: {  	_ =	shalt  }
0x5c: {  	_ =	shalt  }
0x5d: {  	_ =	shalt  }
0x5e: {  	_ =	shalt  }
0x5f: {  	_ =	shalt  }
0x60: {  	_ =	shalt  }
0x61: {  	_ =	shalt  }
0x62: {  	_ =	shalt  }
0x63: {  	_ =	shalt  }
0x64: {  	_ =	shalt  }
0x65: {  	_ =	shalt  }
0x66: {  	_ =	shalt  }
0x67: {  	_ =	shalt  }
0x68: {  	_ =	shalt  }
0x69: {  	_ =	shalt  }
0x6a: {  	_ =	shalt  }
0x6b: {  	_ =	shalt  }
0x6c: {  	_ =	shalt  }
0x6d: {  	_ =	shalt  }
0x6e: {  	_ =	shalt  }
0x6f: {  	_ =	shalt  }
0x70: {  	_ =	shalt  }
0x71: {  	_ =	shalt  }
0x72: {  	_ =	shalt  }
0x73: {  	_ =	shalt  }
0x74: {  	_ =	shalt  }
0x75: {  	_ =	shalt  }
0x76: {  	_ =	shalt  }
0x77: {  	_ =	shalt  }
0x78: {  	_ =	shalt  }
0x79: {  	_ =	shalt  }
0x7a: {  	_ =	shalt  }
0x7b: {  	_ =	shalt  }
0x7c: {  	_ =	shalt  }
0x7d: {  	_ =	shalt  }
0x7e: {  	_ =	shalt  }
0x7f: {  	_ =	shalt  }
0x80: {  	_ =	shalt  }
0x81: {  	_ =	shalt  }
0x82: {  	_ =	shalt  }
0x83: {  	_ =	shalt  }
0x84: {  	_ =	shalt  }
0x85: {  	_ =	shalt  }
0x86: {  	_ =	shalt  }
0x87: {  	_ =	shalt  }
.Lfunc_end0:
.L_simem_size_0:
called_computation.1_lowered:
.L_overlay_start_0:
0x88: {  	s2 =	sld [smem:$0x3FD9]  }
0x89: {  	s3 =	sld [smem:$0x3FFE];
	_ =	sdelay $0x1  }
0x8a: {  	s1 =	srdreg.scid  }
0x8b: {  	s0 =	sand.u32 $0x1, s1  }
0x8c: {  	s17 =	sshll.u32 s0, $0xA;
	s2 =	sadd.s32 s3, s2  }
0x8d: {  	s2 =	sadd.s32 s2, s17  }
0x8e: {  	[smem:$0x3FC5] =	sst s2  }
0x8f: {  	_ = 	snop  }
0x90: {  	s2 =	sld [smem:$0x3FD0];
	(tm) =	ssettm $0x1  }
0x91: {  	s18 =	sld [smem:$0x3FFB];
	_ =	sdelay $0x3  }
0x92: {  	_ =	strace s18  }
0x93: {  	s3 =	sld [smem:$0x3FFC];
	_ =	sdelay $0x3  }
0x94: {  	_ =	strace s3  }
0x95: {  	s3 =	sld [smem:$0x3FFD];
	_ =	sdelay $0x3  }
0x96: {  	_ =	strace s3  }
0x97: {  	_ =	strace $0x8FFFFFFF  }
0x98: {  	s19 =	sld [smem:$0x3FDB];
	_ =	sdelay $0x1  }
0x99: {  	s4 =	simm.s32 $_scs_section_size  }
0x9a: {  	s5 =	simm.s32 $_size__tile_overlayer_lowered;
	s6 =	simm.s32 $_tile_overlayer_lowered  }
0x9b: {  	s22 =	simm.s32 $0x1BFF;
	s21 =	sshll.u32 s6, $0x1;
	s3 =	sadd.s32 s4, s19  }
0x9c: {  	s7 =	simm.s32 $0x0;
	s20 =	sshll.u32 s5, $0x1;
	s5 =	sadd.s32 s21, s3  }
0x9d: {  	[timem:s7], [sflag:s22] =	dma.local [hbm:s5], s20  }
0x9e: {  	_ =	swait.ge [sflag:s22], s20  }
0x9f: {  	s4 =	ssub.s32 $0x0, s20;
	[sflag:s22] =	ssyncset.done $0x0  }
0xa0: {  	[sflag:s22] =	ssyncadd.s32 s4;
	_ =	sdelay $0x1  }
0xa1: {  	s23 =	simm.s32 $0x1B8B  }
0xa2: {  	_ =	swait.ge [sflag:s23], $0x1  }
0xa3: {  	[sflag:s23] =	ssyncset.done $0x0  }
0xa4: {  	s25 =	simm.s32 $0x1B8E;
	s24 =	sld [smem:$0x3FFE];
	[sflag:s23] =	ssyncadd.s32 $0xFFFFFFFF  }
0xa5: {  	s26 =	simm.s32 $execute0_lowered;
	[smem:$0x3FD2] =	sst s25  }
0xa6: {  	s5 =	sshll.u32 s26, $0x1;
	_ =	strace $0x80000046;
	[dreg:$0x1] =	wrdreg $0xFFFFFFFF  }
0xa7: {  	s28 =	simm.s32 $_size_execute0_lowered;
	s3 =	sadd.s32 s3, s5;
	[dreg:$0x0] =	wrdreg $0x0  }
0xa8: {  	s5 =	sshll.u32 s28, $0x1;
	[dreg:$0x2] =	wrdreg s3  }
0xa9: {  	[dreg:$0x3] =	wrdreg s5  }
0xaa: {  	[dreg:$0x4] =	wrdreg $0xC0  }
0xab: {  	_ =	task [dreg:s7], $0x5FFFF  }
0xac: {  	[dreg:$0x1] =	wrdreg $0xFFFFFFFF  }
0xad: {  	[dreg:$0x0] =	wrdreg $0x60  }
0xae: {  	[dreg:$0x2] =	wrdreg s24  }
0xaf: {  	[dreg:$0x3] =	wrdreg s2  }
0xb0: {  	[dreg:$0x4] =	wrdreg $0x9  }
0xb1: {  	_ =	task.clear_ibuf [dreg:s7], $0x5FFFF;
	_ =	strace $0x90000046  }
0xb2: {  	s29 =	simm.s32 $0x9;
	_ =	strace $0x80000048  }
0xb3: {  	_ =	swait.ge [sflag:s29], $0x1  }
0xb4: {  	[sflag:s29] =	ssyncadd.s32 $0xFFFFFFFF  }
0xb5: {  	_ =	strace $0x90000048  }
0xb6: {  	_ =	sfence  }
0xb7: {  	s30 =	sld [smem:$0x0];
	_ =	sdelay $0x2  }
0xb8: {  	s31 =	sshll.u32 s1, $0xD;
	s1 =	sshrl.u32 s1, $0x2  }
0xb9: {  	s3 =	sand.u32 $0x4000, s31;
	s1 =	sadd.s32 s1, s30  }
0xba: {  	s0 =	sor.u32 s3, s0;
	s1 =	sshll.u32 s1, $0x11  }
0xbb: {  	s0 =	sor.u32 s1, s0  }
0xbc: {  	s0 =	sadd.s32 $0x8F2B, s0  }
0xbd: {  	[sflag:s0] =	ssyncadd.remote.s32 $0x1  }
0xbe: {  	_ =	sfence.sel $0xFFFF  }
0xbf: {  	[dreg:$0x0] =	wrdreg $0xFFFFFFFF;
	(pc) =	sbr.abs _section_cstart, $3  }
0xc0: {  	[dreg:$0x1] =	wrdreg $0xFFFFFFFF  }
0xc1: {  	_ =	task.clear_ibuf [dreg:s7], $0x2FFFF;
	_ =	strace $0x9FFFFFFF  }
0xc2: {  	(tm) =	ssettm $0x7FFFFFFF  }
0xc3: {  	_ =	shalt  }
tec
execute0_lowered:
.L_overlay_start_1:
0x0: {  	(tag) =	ssettag $0x1  }
0x1: {  	s1 =	srdreg.scid;
	s6 =	rddreg [dreg:$0x0]  }
0x2: {  	s0 =	stileid.u32;
	s2 =	rddreg [dreg:$0x1];
	s4 =	simm.s32 $0x0  }
0x3: {  	s10 =	simm.s32 $0x5;
	s11 =	simm.s32 $0xC8;
	s12 =	simm.s32 $0x6400  }
0x4: {  	s13 =	simm.s32 $0xC800;
	s14 =	simm.s32 $0x1;
	s15 =	simm.s32 $0x2  }
0x5: {  	s16 =	simm.s32 $0x3;
	s17 =	simm.s32 $0x4;
	s5 =	sand.u32 $0x1, s1  }
0x6: {  	s18 =	simm.s32 $0x0;
	s31 =	sshll.u32 s0, $0x8;
	s3 =	sshll.u32 s5, $0x7  }
.Ltmp0:
0x7: {  	s1 =	rddreg [dreg:$0x2];
	s3 =	sor.u32 s3, s31;
	(pc) =	sbr.rel .LBB2_1-.Ltmp0, $4  }
0x8: {  	[smem:$0x7FF] =	sst s4;
	s8 =	ssub.s32 $0x2, s5;
	s7 =	smul.u32 $0x19, s3  }
0x9: {  	_ =	strace $0x80000047;
	s5 =	sadd.s32 $0xF5C800, s6;
	s9 =	sshrl.u32 s8, $0x1  }
0xa: {  	s8 =	ssub.s32 s8, s9;
	s9 =	simm.s32 $0x12C00;
	s7 =	sadd.s32 s7, s6  }
0xb: {  	s8 =	smax.u32 s8, $0x1;
	s6 =	sadd.s32 $0xF5C000, s6;
	s7 =	sadd.s32 $0xF43000, s7  }
.LBB2_12:
0xc: {  	s18 =	sadd.s32 $0x1, s18  }
0xd: {  	p0 =	sne.s32 s18, s8  }
.Ltmp1:
0xe: {  	_ = 	snop;
	(pc) =	sbr.rel @!p0 .LBB2_13-.Ltmp1, $4  }
0xf: {  	_ = 	snop  }
0x10: {  	_ =	swait.ge [sflag:s17], $0x3200  }
0x11: {  	[sflag:s17] =	ssyncset.done $0x0  }
0x12: {  	[sflag:s17] =	ssyncadd.s32 $0xFFFFCE00  }
.LBB2_1:
0x13: {  	[tilespmem:s9], [sflag:$0x5] =	stream.linear.gather [hbm4b:s6+s4], $0x3200, $0x38;
	[tilespmem:$0x15E00] =	vst v63  }
0x14: {  	_ =	swait.ge [sflag:s10], $0x3200  }
0x15: {  	[sflag:s10] =	ssyncset.done $0x0  }
0x16: {  	[sflag:s10] =	ssyncadd.s32 $0xFFFFCE00  }
0x17: {  	[tilespmem:s4], [sflag:$0x5] =	stream.linear.gather [hbm4b:s7+s4], $0x6400, $0x38;
	[tilespmem:$0x15E00] =	vst v63  }
0x18: {  	_ =	swait.ge [sflag:s10], $0x6400  }
0x19: {  	[sflag:s10] =	ssyncset.done $0x0  }
0x1a: {  	[sflag:s10] =	ssyncadd.s32 $0xFFFF9C00  }
0x1b: {  	[tilespmem:s12], [sflag:$0x1] =	stream.indirect.gather [hbm4b:s5+s11], $0x80, s4, s11, $0xb8;
	[tilespmem:$0x15E00] =	vst v63  }
0x1c: {  	s19 =	simm.s32 $0x0  }
0x1d: {  	[tilespmem:s13], [sflag:$0x2] =	stream.indirect.gather [hbm4b:s5+s11], $0x80, s11, s11, $0xb8;
	[tilespmem:$0x15E00] =	vst v63  }
.LBB2_2:
0x1e: {  	_ =	swait.ge [sflag:s14], $0x6400  }
0x1f: {  	[sflag:s14] =	ssyncset.done $0x0  }
0x20: {  	s21 =	simm.s32 $0x6600;
	[sflag:s14] =	ssyncadd.s32 $0xFFFF9C00  }
0x21: {  	s20 =	simm.s32 $0x12D00;
	v0 =	vld [tilespmem:s21+$0x180]  }
0x22: {  	v1 =	vld [tilespmem:s20+$0xC0]  }
0x23: {  	v2 =	vld [tilespmem:s20+$0xFFFFFF00]  }
0x24: {  	v3 =	vld [tilespmem:s21+$0xFFFFFE80]  }
0x25: {  	v4 =	vld [tilespmem:s21+$0xFFFFFF00]  }
0x26: {  	v6 =	vld [tilespmem:s20+$0xFFFFFF80]  }
0x27: {  	v7 =	vld [tilespmem:s21+$0xFFFFFF80]  }
0x28: {  	v8 =	vld [tilespmem:s20+$0xFFFFFFC0]  }
0x29: {  	v9 =	vld [tilespmem:s21+$0x0]  }
0x2a: {  	v10 =	vld [tilespmem:s20+$0x0]  }
0x2b: {  	v11 =	vld [tilespmem:s20+$0x40]  }
0x2c: {  	v60 =	vld [tilespmem:s21+$0xFFFFFF90]  }
0x2d: {  	v13 =	vld [tilespmem:s21+$0x10]  }
0x2e: {  	v61 =	vld [tilespmem:s21+$0xFFFFFFA0]  }
0x2f: {  	v62 =	vld [tilespmem:s21+$0xA0];
	v0 =	vadd.f32 v1, v0  }
0x30: {  	v1 =	vld [tilespmem:s20+$0xFFFFFF40]  }
0x31: {  	[tilespmem:s21+$0x180] =	vst v0;
	v0 =	vld [tilespmem:s21+$0x190]  }
0x32: {  	v5 =	vld [tilespmem:s20+$0xD0]  }
0x33: {  	v63 =	vld [tilespmem:s21+$0xFFFFFE30];
	v4 =	vadd.f32 v6, v4  }
0x34: {  	v6 =	vld [tilespmem:s20+$0x80]  }
0x35: {  	[tilespmem:s21+$0xFFFFFF00] =	vst v4;
	v4 =	vadd.f32 v10, v9;
	v10 =	vld [tilespmem:s21+$0xFFFFFE90];
	v1 =	vadd.f32 v1, v3  }
0x36: {  	v3 =	vld [tilespmem:s21+$0x100]  }
0x37: {  	[tilespmem:s21+$0xFFFFFE80] =	vst v1;
	v0 =	vadd.f32 v5, v0;
	v5 =	vld [tilespmem:s21+$0x80]  }
0x38: {  	v1 =	vadd.f32 v8, v7;
	v8 =	vld [tilespmem:s20+$0xFFFFFF50]  }
0x39: {  	[tilespmem:s21+$0x190] =	vst v0;
	v0 =	vld [tilespmem:s21+$0x1A0]  }
0x3a: {  	[tilespmem:s21+$0x0] =	vst v4;
	v12 =	vld [tilespmem:s20+$0xE0]  }
0x3b: {  	v9 =	vld [tilespmem:s20+$0x10]  }
0x3c: {  	v7 =	vld [tilespmem:s21+$0xFFFFFE00]  }
0x3d: {  	[tilespmem:s21+$0xFFFFFF80] =	vst v1;
	v1 =	vld [tilespmem:s20+$0xFFFFFF90]  }
0x3e: {  	v4 =	vld [tilespmem:s20+$0xFFFFFFD0];
	v8 =	vadd.f32 v8, v10  }
0x3f: {  	v5 =	vadd.f32 v11, v5;
	v11 =	vld [tilespmem:s21+$0xFFFFFF10];
	v0 =	vadd.f32 v12, v0  }
0x40: {  	v10 =	vld [tilespmem:s21+$0x110];
	[tilespmem:s21+$0xFFFFFE90] =	vst v8  }
0x41: {  	v8 =	vld [tilespmem:s20+$0xFFFFFF60];
	[tilespmem:s21+$0x1A0] =	vst v0;
	v0 =	vadd.f32 v2, v7  }
0x42: {  	[tilespmem:s21+$0x80] =	vst v5;
	v7 =	vld [tilespmem:s21+$0x1B0];
	v2 =	vadd.f32 v6, v3  }
0x43: {  	v5 =	vld [tilespmem:s20+$0xF0];
	[tilespmem:s21+$0xFFFFFE00] =	vst v0  }
0x44: {  	v1 =	vadd.f32 v1, v11;
	[tilespmem:s21+$0x100] =	vst v2;
	v2 =	vld [tilespmem:s21+$0xFFFFFE10]  }
0x45: {  	v3 =	vld [tilespmem:s20+$0xFFFFFF10]  }
0x46: {  	v0 =	vld [tilespmem:s20+$0x50];
	[tilespmem:s21+$0xFFFFFF10] =	vst v1;
	v1 =	vadd.f32 v9, v13  }
0x47: {  	v4 =	vadd.f32 v4, v60;
	v6 =	vld [tilespmem:s20+$0x90]  }
0x48: {  	v9 =	vld [tilespmem:s20+$0xFFFFFFA0];
	[tilespmem:s21+$0x10] =	vst v1  }
0x49: {  	[tilespmem:s21+$0xFFFFFF90] =	vst v4;
	v4 =	vld [tilespmem:s20+$0x20]  }
0x4a: {  	v5 =	vadd.f32 v5, v7;
	v7 =	vld [tilespmem:s21+$0x30];
	v2 =	vadd.f32 v3, v2  }
0x4b: {  	v3 =	vld [tilespmem:s21+$0x90]  }
0x4c: {  	[tilespmem:s21+$0xFFFFFE10] =	vst v2;
	v2 =	vld [tilespmem:s21+$0xFFFFFE20]  }
0x4d: {  	v11 =	vld [tilespmem:s20+$0xFFFFFF20]  }
0x4e: {  	v1 =	vadd.f32 v6, v10;
	v6 =	vld [tilespmem:s21+$0xFFFFFEA0]  }
0x4f: {  	v10 =	vld [tilespmem:s21+$0xFFFFFF20];
	[tilespmem:s21+$0x1B0] =	vst v5  }
0x50: {  	v5 =	vld [tilespmem:s21+$0xB0];
	[tilespmem:s21+$0x110] =	vst v1  }
0x51: {  	v1 =	vld [tilespmem:s20+$0xA0];
	v0 =	vadd.f32 v0, v3  }
0x52: {  	v3 =	vld [tilespmem:s20+$0xFFFFFFE0];
	v2 =	vadd.f32 v11, v2  }
0x53: {  	[tilespmem:s21+$0x90] =	vst v0;
	v11 =	vld [tilespmem:s21+$0x20]  }
0x54: {  	[tilespmem:s21+$0xFFFFFE20] =	vst v2;
	v2 =	vadd.f32 v8, v6;
	v6 =	vld [tilespmem:s21+$0x120]  }
0x55: {  	v0 =	vld [tilespmem:s20+$0x60]  }
0x56: {  	v8 =	vadd.f32 v9, v10;
	v9 =	vld [tilespmem:s21+$0xFFFFFF30]  }
0x57: {  	v10 =	vld [tilespmem:s20+$0xFFFFFF30];
	[tilespmem:s21+$0xFFFFFEA0] =	vst v2;
	v2 =	vadd.f32 v3, v61  }
0x58: {  	[tilespmem:s21+$0xFFFFFF20] =	vst v8;
	v14 =	vld [tilespmem:s20+$0xFFFFFF70]  }
0x59: {  	v8 =	vadd.f32 v4, v11;
	v4 =	vld [tilespmem:s20+$0xFFFFFFB0];
	[tilespmem:s21+$0xFFFFFFA0] =	vst v2;
	v6 =	vadd.f32 v1, v6  }
0x5a: {  	v3 =	vld [tilespmem:s20+$0xFFFFFFF0]  }
0x5b: {  	v0 =	vadd.f32 v0, v62;
	[tilespmem:s21+$0x120] =	vst v6;
	v6 =	vld [tilespmem:s21+$0xFFFFFEB0]  }
0x5c: {  	[tilespmem:s21+$0x20] =	vst v8;
	v8 =	vld [tilespmem:s21+$0xFFFFFFB0]  }
0x5d: {  	[tilespmem:s21+$0xA0] =	vst v0;
	v2 =	vld [tilespmem:s20+$0x30]  }
0x5e: {  	v1 =	vld [tilespmem:s20+$0x70];
	v10 =	vadd.f32 v10, v63  }
0x5f: {  	v0 =	vld [tilespmem:s20+$0xB0]  }
0x60: {  	s22 =	simm.s32 $0x0;
	s23 =	simm.s32 $0x6A00;
	[tilespmem:s21+$0xFFFFFE30] =	vst v10;
	v10 =	vadd.f32 v14, v6;
	v6 =	vld [tilespmem:s21+$0x130]  }
.LBB2_3:
0x61: {  	v11 =	vld [tilespmem:s23+$0x180];
	v4 =	vadd.f32 v4, v9;
	s20 =	sadd.s32 $0x200, s20  }
0x62: {  	s22 =	sadd.s32 $0x8, s22;
	v9 =	vld [tilespmem:s20+$0xC0];
	[tilespmem:s21+$0xFFFFFEB0] =	vst v10;
	v3 =	vadd.f32 v3, v8  }
0x63: {  	p0 =	slt.u32 s22, $0xC0;
	v8 =	vld [tilespmem:s20+$0xFFFFFF00];
	[tilespmem:s21+$0xFFFFFF30] =	vst v4;
	v2 =	vadd.f32 v2, v7  }
0x64: {  	v4 =	vld [tilespmem:s23+$0xFFFFFE80];
	[tilespmem:s21+$0xFFFFFFB0] =	vst v3;
	v1 =	vadd.f32 v1, v5  }
0x65: {  	v3 =	vld [tilespmem:s20+$0xFFFFFF40];
	[tilespmem:s21+$0x30] =	vst v2;
	v0 =	vadd.f32 v0, v6  }
0x66: {  	v2 =	vld [tilespmem:s23+$0xFFFFFF00];
	[tilespmem:s21+$0xB0] =	vst v1  }
0x67: {  	v1 =	vld [tilespmem:s20+$0xFFFFFF80];
	v5 =	vadd.f32 v9, v11;
	[tilespmem:s21+$0x130] =	vst v0;
	s21 =	smov.u32 s23  }
0x68: {  	v0 =	vld [tilespmem:s23+$0xFFFFFF80]  }
0x69: {  	[tilespmem:s23+$0x180] =	vst v5;
	v5 =	vld [tilespmem:s23+$0x190]  }
0x6a: {  	v3 =	vadd.f32 v3, v4;
	v4 =	vld [tilespmem:s20+$0xD0]  }
0x6b: {  	v6 =	vld [tilespmem:s20+$0xFFFFFFC0]  }
0x6c: {  	[tilespmem:s23+$0xFFFFFE80] =	vst v3;
	v1 =	vadd.f32 v1, v2;
	v2 =	vld [tilespmem:s23+$0x0]  }
0x6d: {  	v3 =	vld [tilespmem:s20+$0x0]  }
0x6e: {  	[tilespmem:s23+$0xFFFFFF00] =	vst v1;
	v1 =	vld [tilespmem:s23+$0x80]  }
0x6f: {  	v7 =	vld [tilespmem:s20+$0x40];
	v4 =	vadd.f32 v4, v5  }
0x70: {  	v0 =	vadd.f32 v6, v0;
	v5 =	vld [tilespmem:s23+$0x100]  }
0x71: {  	[tilespmem:s23+$0x190] =	vst v4;
	v4 =	vld [tilespmem:s23+$0x1A0]  }
0x72: {  	[tilespmem:s23+$0xFFFFFF80] =	vst v0;
	v0 =	vadd.f32 v3, v2;
	v2 =	vld [tilespmem:s20+$0xE0]  }
0x73: {  	v3 =	vld [tilespmem:s20+$0x80]  }
0x74: {  	v6 =	vld [tilespmem:s23+$0xFFFFFE00];
	[tilespmem:s23+$0x0] =	vst v0;
	v0 =	vadd.f32 v7, v1  }
0x75: {  	v1 =	vld [tilespmem:s20+$0xFFFFFF50]  }
0x76: {  	v7 =	vld [tilespmem:s20+$0xFFFFFF90];
	[tilespmem:s23+$0x80] =	vst v0  }
0x77: {  	v0 =	vld [tilespmem:s20+$0xFFFFFFD0];
	v2 =	vadd.f32 v2, v4  }
0x78: {  	v4 =	vld [tilespmem:s20+$0x10];
	v3 =	vadd.f32 v3, v5  }
0x79: {  	v5 =	vadd.f32 v8, v6;
	[tilespmem:s23+$0x1A0] =	vst v2;
	v2 =	vld [tilespmem:s23+$0x1B0]  }
0x7a: {  	[tilespmem:s23+$0x100] =	vst v3;
	v3 =	vld [tilespmem:s20+$0xF0]  }
0x7b: {  	[tilespmem:s23+$0xFFFFFE00] =	vst v5;
	v5 =	vld [tilespmem:s20+$0x50]  }
0x7c: {  	v6 =	vld [tilespmem:s20+$0xFFFFFF10]  }
0x7d: {  	v8 =	vld [tilespmem:s20+$0x90]  }
0x7e: {  	v9 =	vld [tilespmem:s23+$0xFFFFFE10]  }
0x7f: {  	v10 =	vld [tilespmem:s23+$0xFFFFFE90];
	v2 =	vadd.f32 v3, v2  }
0x80: {  	v3 =	vld [tilespmem:s23+$0xFFFFFF10]  }
0x81: {  	v11 =	vld [tilespmem:s23+$0xFFFFFF90];
	[tilespmem:s23+$0x1B0] =	vst v2  }
0x82: {  	v2 =	vld [tilespmem:s23+$0x10]  }
0x83: {  	v6 =	vadd.f32 v6, v9;
	v9 =	vld [tilespmem:s23+$0x90]  }
0x84: {  	v1 =	vadd.f32 v1, v10;
	v10 =	vld [tilespmem:s23+$0x110]  }
0x85: {  	[tilespmem:s23+$0xFFFFFE10] =	vst v6;
	v6 =	vld [tilespmem:s23+$0xFFFFFE20];
	v3 =	vadd.f32 v7, v3  }
0x86: {  	v7 =	vld [tilespmem:s20+$0xFFFFFF20];
	[tilespmem:s23+$0xFFFFFE90] =	vst v1;
	v0 =	vadd.f32 v0, v11  }
0x87: {  	v1 =	vld [tilespmem:s20+$0xFFFFFF60];
	[tilespmem:s23+$0xFFFFFF10] =	vst v3;
	v2 =	vadd.f32 v4, v2  }
0x88: {  	v3 =	vld [tilespmem:s20+$0xFFFFFFA0];
	[tilespmem:s23+$0xFFFFFF90] =	vst v0;
	v0 =	vadd.f32 v5, v9  }
0x89: {  	v4 =	vld [tilespmem:s20+$0xFFFFFFE0];
	[tilespmem:s23+$0x10] =	vst v2;
	v2 =	vadd.f32 v8, v10  }
0x8a: {  	v5 =	vld [tilespmem:s20+$0x20];
	[tilespmem:s23+$0x90] =	vst v0  }
0x8b: {  	v0 =	vadd.f32 v7, v6;
	v6 =	vld [tilespmem:s20+$0x60];
	[tilespmem:s23+$0x110] =	vst v2  }
0x8c: {  	v2 =	vld [tilespmem:s20+$0xA0]  }
0x8d: {  	[tilespmem:s23+$0xFFFFFE20] =	vst v0;
	v0 =	vld [tilespmem:s23+$0xFFFFFEA0]  }
0x8e: {  	v7 =	vld [tilespmem:s23+$0xFFFFFF20]  }
0x8f: {  	v8 =	vld [tilespmem:s23+$0xFFFFFFA0]  }
0x90: {  	v9 =	vld [tilespmem:s23+$0x20]  }
0x91: {  	v10 =	vld [tilespmem:s23+$0xA0]  }
0x92: {  	v0 =	vadd.f32 v1, v0;
	v1 =	vld [tilespmem:s23+$0x120]  }
0x93: {  	v11 =	vld [tilespmem:s20+$0xFFFFFF30];
	v3 =	vadd.f32 v3, v7  }
0x94: {  	v7 =	vld [tilespmem:s23+$0xFFFFFE30];
	[tilespmem:s23+$0xFFFFFEA0] =	vst v0;
	v0 =	vadd.f32 v4, v8  }
0x95: {  	v12 =	vld [tilespmem:s20+$0xFFFFFF70];
	[tilespmem:s23+$0xFFFFFF20] =	vst v3;
	v5 =	vadd.f32 v5, v9  }
0x96: {  	v4 =	vld [tilespmem:s20+$0xFFFFFFB0];
	[tilespmem:s23+$0xFFFFFFA0] =	vst v0;
	v0 =	vadd.f32 v6, v10  }
0x97: {  	v3 =	vld [tilespmem:s20+$0xFFFFFFF0];
	[tilespmem:s23+$0x20] =	vst v5;
	v5 =	vadd.f32 v2, v1  }
0x98: {  	v2 =	vld [tilespmem:s20+$0x30];
	[tilespmem:s23+$0xA0] =	vst v0  }
0x99: {  	v6 =	vadd.f32 v11, v7;
	v1 =	vld [tilespmem:s20+$0x70];
	[tilespmem:s23+$0x120] =	vst v5  }
0x9a: {  	v0 =	vld [tilespmem:s20+$0xB0]  }
0x9b: {  	[tilespmem:s23+$0xFFFFFE30] =	vst v6;
	v6 =	vld [tilespmem:s23+$0xFFFFFEB0]  }
.Ltmp2:
0x9c: {  	v9 =	vld [tilespmem:s23+$0xFFFFFF30];
	(pc) =	sbr.rel @p0 .LBB2_3-.Ltmp2, $4  }
0x9d: {  	v8 =	vld [tilespmem:s23+$0xFFFFFFB0]  }
0x9e: {  	v7 =	vld [tilespmem:s23+$0x30]  }
0x9f: {  	v5 =	vld [tilespmem:s23+$0xB0]  }
0xa0: {  	s23 =	sadd.s32 $0x400, s23;
	v10 =	vadd.f32 v12, v6;
	v6 =	vld [tilespmem:s21+$0x130]  }
0xa1: {  	v4 =	vadd.f32 v4, v9  }
0xa2: {  	s20 =	sshll.u32 s19, $0x1;
	[tilespmem:s21+$0xFFFFFEB0] =	vst v10;
	v3 =	vadd.f32 v3, v8  }
0xa3: {  	s22 =	sadd.s32 s3, s20;
	[tilespmem:s21+$0xFFFFFF30] =	vst v4;
	v2 =	vadd.f32 v2, v7  }
0xa4: {  	s22 =	smul.u32 $0x640, s22;
	[tilespmem:s21+$0xFFFFFFB0] =	vst v3;
	v1 =	vadd.f32 v1, v5  }
0xa5: {  	[tilespmem:s21+$0x30] =	vst v2;
	v0 =	vadd.f32 v0, v6  }
0xa6: {  	s23 =	simm.s32 $0x6400;
	s22 =	sadd.s32 s2, s22;
	[tilespmem:s21+$0xB0] =	vst v1  }
0xa7: {  	s24 =	simm.s32 $0x6480;
	s25 =	sadd.s32 $0x0, s22;
	[tilespmem:s21+$0x130] =	vst v0;
	s21 =	simm.s32 $0x8  }
.LBB2_5:
0xa8: {  	[hbm4b:s25+s4] =	stream.linear.scatter [tilespmem:s23], [sflag:$0x3], $0x40, $0x38;
	[tilespmem:$0x15E00] =	vst v63  }
0xa9: {  	s25 =	smov.u32 s21;
	s23 =	smov.u32 s24;
	p0 =	sne.s32 s21, $0x638  }
.Ltmp3:
0xaa: {  	s21 =	sadd.s32 $0x8, s21;
	(pc) =	sbr.rel @p0 .LBB2_5-.Ltmp3, $2  }
0xab: {  	_ =	sdelay $0x2  }
0xac: {  	s24 =	sadd.s32 $0x80, s24;
	s25 =	sadd.s32 s25, s22  }
0xad: {  	[hbm4b:s25+s4] =	stream.linear.scatter [tilespmem:s23], [sflag:$0x3], $0x40, $0x38;
	[tilespmem:$0x15E00] =	vst v63  }
0xae: {  	p0 =	seq.s32 s19, $0x0  }
0xaf: {  	s21 =	simm.s32 @!p0 $0x4  }
0xb0: {  	s22 =	smul.u32 @!p0 $0x640, s19;
	_ =	swait.ge @!p0 [sflag:s21], $0x3200  }
0xb1: {  	[sflag:s21] =	ssyncset.done @!p0 $0x0  }
0xb2: {  	[sflag:s21] =	ssyncadd.s32 @!p0 $0xFFFFCE00;
	s21 =	sshra.s32 @!p0 s22, $0x2  }
0xb3: {  	s23 =	simm.s32 @!p0 $0xC800;
	s22 =	simm.s32 @!p0 $0xC8;
	s21 =	sadd.s32 @!p0 $0xC8, s21  }
0xb4: {  	[tilespmem:s23], [sflag:$0x2] =	stream.indirect.gather @!p0 [hbm4b:s5+s22], $0x80, s21, s22, $0xb8;
	[tilespmem:$0x15E00] =	vst v63  }
0xb5: {  	_ =	swait.ge [sflag:s15], $0x6400  }
0xb6: {  	[sflag:s15] =	ssyncset.done $0x0  }
0xb7: {  	s21 =	simm.s32 $0xCA00;
	[sflag:s15] =	ssyncadd.s32 $0xFFFF9C00  }
0xb8: {  	s22 =	simm.s32 $0x12D00;
	v0 =	vld [tilespmem:s21+$0x180]  }
0xb9: {  	v1 =	vld [tilespmem:s22+$0xC0]  }
0xba: {  	v2 =	vld [tilespmem:s22+$0xFFFFFF00]  }
0xbb: {  	v3 =	vld [tilespmem:s21+$0xFFFFFE80]  }
0xbc: {  	v4 =	vld [tilespmem:s21+$0xFFFFFF00]  }
0xbd: {  	v6 =	vld [tilespmem:s22+$0xFFFFFF80]  }
0xbe: {  	v7 =	vld [tilespmem:s21+$0xFFFFFF80]  }
0xbf: {  	v8 =	vld [tilespmem:s22+$0xFFFFFFC0]  }
0xc0: {  	v9 =	vld [tilespmem:s21+$0x0]  }
0xc1: {  	v10 =	vld [tilespmem:s22+$0x0]  }
0xc2: {  	v11 =	vld [tilespmem:s22+$0x40]  }
0xc3: {  	v60 =	vld [tilespmem:s21+$0xFFFFFF90]  }
0xc4: {  	v13 =	vld [tilespmem:s21+$0x10]  }
0xc5: {  	v61 =	vld [tilespmem:s21+$0xFFFFFFA0]  }
0xc6: {  	v62 =	vld [tilespmem:s21+$0xA0];
	v0 =	vadd.f32 v1, v0  }
0xc7: {  	v1 =	vld [tilespmem:s22+$0xFFFFFF40]  }
0xc8: {  	[tilespmem:s21+$0x180] =	vst v0;
	v0 =	vld [tilespmem:s21+$0x190]  }
0xc9: {  	v5 =	vld [tilespmem:s22+$0xD0]  }
0xca: {  	v63 =	vld [tilespmem:s21+$0xFFFFFE30];
	v4 =	vadd.f32 v6, v4  }
0xcb: {  	v6 =	vld [tilespmem:s22+$0x80]  }
0xcc: {  	[tilespmem:s21+$0xFFFFFF00] =	vst v4;
	v4 =	vadd.f32 v10, v9;
	v10 =	vld [tilespmem:s21+$0xFFFFFE90];
	v1 =	vadd.f32 v1, v3  }
0xcd: {  	v3 =	vld [tilespmem:s21+$0x100]  }
0xce: {  	[tilespmem:s21+$0xFFFFFE80] =	vst v1;
	v0 =	vadd.f32 v5, v0;
	v5 =	vld [tilespmem:s21+$0x80]  }
0xcf: {  	v1 =	vadd.f32 v8, v7;
	v8 =	vld [tilespmem:s22+$0xFFFFFF50]  }
0xd0: {  	[tilespmem:s21+$0x190] =	vst v0;
	v0 =	vld [tilespmem:s21+$0x1A0]  }
0xd1: {  	[tilespmem:s21+$0x0] =	vst v4;
	v12 =	vld [tilespmem:s22+$0xE0]  }
0xd2: {  	v9 =	vld [tilespmem:s22+$0x10]  }
0xd3: {  	v7 =	vld [tilespmem:s21+$0xFFFFFE00]  }
0xd4: {  	[tilespmem:s21+$0xFFFFFF80] =	vst v1;
	v1 =	vld [tilespmem:s22+$0xFFFFFF90]  }
0xd5: {  	v4 =	vld [tilespmem:s22+$0xFFFFFFD0];
	v8 =	vadd.f32 v8, v10  }
0xd6: {  	v5 =	vadd.f32 v11, v5;
	v11 =	vld [tilespmem:s21+$0xFFFFFF10];
	v0 =	vadd.f32 v12, v0  }
0xd7: {  	v10 =	vld [tilespmem:s21+$0x110];
	[tilespmem:s21+$0xFFFFFE90] =	vst v8  }
0xd8: {  	v8 =	vld [tilespmem:s22+$0xFFFFFF60];
	[tilespmem:s21+$0x1A0] =	vst v0;
	v0 =	vadd.f32 v2, v7  }
0xd9: {  	[tilespmem:s21+$0x80] =	vst v5;
	v7 =	vld [tilespmem:s21+$0x1B0];
	v2 =	vadd.f32 v6, v3  }
0xda: {  	v5 =	vld [tilespmem:s22+$0xF0];
	[tilespmem:s21+$0xFFFFFE00] =	vst v0  }
0xdb: {  	v1 =	vadd.f32 v1, v11;
	[tilespmem:s21+$0x100] =	vst v2;
	v2 =	vld [tilespmem:s21+$0xFFFFFE10]  }
0xdc: {  	v3 =	vld [tilespmem:s22+$0xFFFFFF10]  }
0xdd: {  	v0 =	vld [tilespmem:s22+$0x50];
	[tilespmem:s21+$0xFFFFFF10] =	vst v1;
	v1 =	vadd.f32 v9, v13  }
0xde: {  	v4 =	vadd.f32 v4, v60;
	v6 =	vld [tilespmem:s22+$0x90]  }
0xdf: {  	v9 =	vld [tilespmem:s22+$0xFFFFFFA0];
	[tilespmem:s21+$0x10] =	vst v1  }
0xe0: {  	[tilespmem:s21+$0xFFFFFF90] =	vst v4;
	v4 =	vld [tilespmem:s22+$0x20]  }
0xe1: {  	v5 =	vadd.f32 v5, v7;
	v7 =	vld [tilespmem:s21+$0x30];
	v2 =	vadd.f32 v3, v2  }
0xe2: {  	v3 =	vld [tilespmem:s21+$0x90]  }
0xe3: {  	[tilespmem:s21+$0xFFFFFE10] =	vst v2;
	v2 =	vld [tilespmem:s21+$0xFFFFFE20]  }
0xe4: {  	v11 =	vld [tilespmem:s22+$0xFFFFFF20]  }
0xe5: {  	v1 =	vadd.f32 v6, v10;
	v6 =	vld [tilespmem:s21+$0xFFFFFEA0]  }
0xe6: {  	v10 =	vld [tilespmem:s21+$0xFFFFFF20];
	[tilespmem:s21+$0x1B0] =	vst v5  }
0xe7: {  	v5 =	vld [tilespmem:s21+$0xB0];
	[tilespmem:s21+$0x110] =	vst v1  }
0xe8: {  	v1 =	vld [tilespmem:s22+$0xA0];
	v0 =	vadd.f32 v0, v3  }
0xe9: {  	v3 =	vld [tilespmem:s22+$0xFFFFFFE0];
	v2 =	vadd.f32 v11, v2  }
0xea: {  	[tilespmem:s21+$0x90] =	vst v0;
	v11 =	vld [tilespmem:s21+$0x20]  }
0xeb: {  	[tilespmem:s21+$0xFFFFFE20] =	vst v2;
	v2 =	vadd.f32 v8, v6;
	v6 =	vld [tilespmem:s21+$0x120]  }
0xec: {  	v0 =	vld [tilespmem:s22+$0x60]  }
0xed: {  	v8 =	vadd.f32 v9, v10;
	v9 =	vld [tilespmem:s21+$0xFFFFFF30]  }
0xee: {  	v10 =	vld [tilespmem:s22+$0xFFFFFF30];
	[tilespmem:s21+$0xFFFFFEA0] =	vst v2;
	v2 =	vadd.f32 v3, v61  }
0xef: {  	[tilespmem:s21+$0xFFFFFF20] =	vst v8;
	v14 =	vld [tilespmem:s22+$0xFFFFFF70]  }
0xf0: {  	v8 =	vadd.f32 v4, v11;
	v4 =	vld [tilespmem:s22+$0xFFFFFFB0];
	[tilespmem:s21+$0xFFFFFFA0] =	vst v2;
	v6 =	vadd.f32 v1, v6  }
0xf1: {  	v3 =	vld [tilespmem:s22+$0xFFFFFFF0]  }
0xf2: {  	v0 =	vadd.f32 v0, v62;
	[tilespmem:s21+$0x120] =	vst v6;
	v6 =	vld [tilespmem:s21+$0xFFFFFEB0]  }
0xf3: {  	[tilespmem:s21+$0x20] =	vst v8;
	v8 =	vld [tilespmem:s21+$0xFFFFFFB0]  }
0xf4: {  	[tilespmem:s21+$0xA0] =	vst v0;
	v2 =	vld [tilespmem:s22+$0x30]  }
0xf5: {  	v1 =	vld [tilespmem:s22+$0x70];
	v10 =	vadd.f32 v10, v63  }
0xf6: {  	v0 =	vld [tilespmem:s22+$0xB0]  }
0xf7: {  	s24 =	simm.s32 $0xCE00;
	s23 =	simm.s32 $0x0;
	[tilespmem:s21+$0xFFFFFE30] =	vst v10;
	v10 =	vadd.f32 v14, v6;
	v6 =	vld [tilespmem:s21+$0x130]  }
.LBB2_7:
0xf8: {  	v11 =	vld [tilespmem:s24+$0x180];
	v4 =	vadd.f32 v4, v9;
	s22 =	sadd.s32 $0x200, s22  }
0xf9: {  	s23 =	sadd.s32 $0x8, s23;
	v9 =	vld [tilespmem:s22+$0xC0];
	[tilespmem:s21+$0xFFFFFEB0] =	vst v10;
	v3 =	vadd.f32 v3, v8  }
0xfa: {  	p0 =	slt.u32 s23, $0xC0;
	v8 =	vld [tilespmem:s22+$0xFFFFFF00];
	[tilespmem:s21+$0xFFFFFF30] =	vst v4;
	v2 =	vadd.f32 v2, v7  }
0xfb: {  	v4 =	vld [tilespmem:s24+$0xFFFFFE80];
	[tilespmem:s21+$0xFFFFFFB0] =	vst v3;
	v1 =	vadd.f32 v1, v5  }
0xfc: {  	v3 =	vld [tilespmem:s22+$0xFFFFFF40];
	[tilespmem:s21+$0x30] =	vst v2;
	v0 =	vadd.f32 v0, v6  }
0xfd: {  	v2 =	vld [tilespmem:s24+$0xFFFFFF00];
	[tilespmem:s21+$0xB0] =	vst v1  }
0xfe: {  	v1 =	vld [tilespmem:s22+$0xFFFFFF80];
	v5 =	vadd.f32 v9, v11;
	[tilespmem:s21+$0x130] =	vst v0;
	s21 =	smov.u32 s24  }
0xff: {  	v0 =	vld [tilespmem:s24+$0xFFFFFF80]  }
0x100: {  	[tilespmem:s24+$0x180] =	vst v5;
	v5 =	vld [tilespmem:s24+$0x190]  }
0x101: {  	v3 =	vadd.f32 v3, v4;
	v4 =	vld [tilespmem:s22+$0xD0]  }
0x102: {  	v6 =	vld [tilespmem:s22+$0xFFFFFFC0]  }
0x103: {  	[tilespmem:s24+$0xFFFFFE80] =	vst v3;
	v1 =	vadd.f32 v1, v2;
	v2 =	vld [tilespmem:s24+$0x0]  }
0x104: {  	v3 =	vld [tilespmem:s22+$0x0]  }
0x105: {  	[tilespmem:s24+$0xFFFFFF00] =	vst v1;
	v1 =	vld [tilespmem:s24+$0x80]  }
0x106: {  	v7 =	vld [tilespmem:s22+$0x40];
	v4 =	vadd.f32 v4, v5  }
0x107: {  	v0 =	vadd.f32 v6, v0;
	v5 =	vld [tilespmem:s24+$0x100]  }
0x108: {  	[tilespmem:s24+$0x190] =	vst v4;
	v4 =	vld [tilespmem:s24+$0x1A0]  }
0x109: {  	[tilespmem:s24+$0xFFFFFF80] =	vst v0;
	v0 =	vadd.f32 v3, v2;
	v2 =	vld [tilespmem:s22+$0xE0]  }
0x10a: {  	v3 =	vld [tilespmem:s22+$0x80]  }
0x10b: {  	v6 =	vld [tilespmem:s24+$0xFFFFFE00];
	[tilespmem:s24+$0x0] =	vst v0;
	v0 =	vadd.f32 v7, v1  }
0x10c: {  	v1 =	vld [tilespmem:s22+$0xFFFFFF50]  }
0x10d: {  	v7 =	vld [tilespmem:s22+$0xFFFFFF90];
	[tilespmem:s24+$0x80] =	vst v0  }
0x10e: {  	v0 =	vld [tilespmem:s22+$0xFFFFFFD0];
	v2 =	vadd.f32 v2, v4  }
0x10f: {  	v4 =	vld [tilespmem:s22+$0x10];
	v3 =	vadd.f32 v3, v5  }
0x110: {  	v5 =	vadd.f32 v8, v6;
	[tilespmem:s24+$0x1A0] =	vst v2;
	v2 =	vld [tilespmem:s24+$0x1B0]  }
0x111: {  	[tilespmem:s24+$0x100] =	vst v3;
	v3 =	vld [tilespmem:s22+$0xF0]  }
0x112: {  	[tilespmem:s24+$0xFFFFFE00] =	vst v5;
	v5 =	vld [tilespmem:s22+$0x50]  }
0x113: {  	v6 =	vld [tilespmem:s22+$0xFFFFFF10]  }
0x114: {  	v8 =	vld [tilespmem:s22+$0x90]  }
0x115: {  	v9 =	vld [tilespmem:s24+$0xFFFFFE10]  }
0x116: {  	v10 =	vld [tilespmem:s24+$0xFFFFFE90];
	v2 =	vadd.f32 v3, v2  }
0x117: {  	v3 =	vld [tilespmem:s24+$0xFFFFFF10]  }
0x118: {  	v11 =	vld [tilespmem:s24+$0xFFFFFF90];
	[tilespmem:s24+$0x1B0] =	vst v2  }
0x119: {  	v2 =	vld [tilespmem:s24+$0x10]  }
0x11a: {  	v6 =	vadd.f32 v6, v9;
	v9 =	vld [tilespmem:s24+$0x90]  }
0x11b: {  	v1 =	vadd.f32 v1, v10;
	v10 =	vld [tilespmem:s24+$0x110]  }
0x11c: {  	[tilespmem:s24+$0xFFFFFE10] =	vst v6;
	v6 =	vld [tilespmem:s24+$0xFFFFFE20];
	v3 =	vadd.f32 v7, v3  }
0x11d: {  	v7 =	vld [tilespmem:s22+$0xFFFFFF20];
	[tilespmem:s24+$0xFFFFFE90] =	vst v1;
	v0 =	vadd.f32 v0, v11  }
0x11e: {  	v1 =	vld [tilespmem:s22+$0xFFFFFF60];
	[tilespmem:s24+$0xFFFFFF10] =	vst v3;
	v2 =	vadd.f32 v4, v2  }
0x11f: {  	v3 =	vld [tilespmem:s22+$0xFFFFFFA0];
	[tilespmem:s24+$0xFFFFFF90] =	vst v0;
	v0 =	vadd.f32 v5, v9  }
0x120: {  	v4 =	vld [tilespmem:s22+$0xFFFFFFE0];
	[tilespmem:s24+$0x10] =	vst v2;
	v2 =	vadd.f32 v8, v10  }
0x121: {  	v5 =	vld [tilespmem:s22+$0x20];
	[tilespmem:s24+$0x90] =	vst v0  }
0x122: {  	v0 =	vadd.f32 v7, v6;
	v6 =	vld [tilespmem:s22+$0x60];
	[tilespmem:s24+$0x110] =	vst v2  }
0x123: {  	v2 =	vld [tilespmem:s22+$0xA0]  }
0x124: {  	[tilespmem:s24+$0xFFFFFE20] =	vst v0;
	v0 =	vld [tilespmem:s24+$0xFFFFFEA0]  }
0x125: {  	v7 =	vld [tilespmem:s24+$0xFFFFFF20]  }
0x126: {  	v8 =	vld [tilespmem:s24+$0xFFFFFFA0]  }
0x127: {  	v9 =	vld [tilespmem:s24+$0x20]  }
0x128: {  	v10 =	vld [tilespmem:s24+$0xA0]  }
0x129: {  	v0 =	vadd.f32 v1, v0;
	v1 =	vld [tilespmem:s24+$0x120]  }
0x12a: {  	v11 =	vld [tilespmem:s22+$0xFFFFFF30];
	v3 =	vadd.f32 v3, v7  }
0x12b: {  	v7 =	vld [tilespmem:s24+$0xFFFFFE30];
	[tilespmem:s24+$0xFFFFFEA0] =	vst v0;
	v0 =	vadd.f32 v4, v8  }
0x12c: {  	v12 =	vld [tilespmem:s22+$0xFFFFFF70];
	[tilespmem:s24+$0xFFFFFF20] =	vst v3;
	v5 =	vadd.f32 v5, v9  }
0x12d: {  	v4 =	vld [tilespmem:s22+$0xFFFFFFB0];
	[tilespmem:s24+$0xFFFFFFA0] =	vst v0;
	v0 =	vadd.f32 v6, v10  }
0x12e: {  	v3 =	vld [tilespmem:s22+$0xFFFFFFF0];
	[tilespmem:s24+$0x20] =	vst v5;
	v5 =	vadd.f32 v2, v1  }
0x12f: {  	v2 =	vld [tilespmem:s22+$0x30];
	[tilespmem:s24+$0xA0] =	vst v0  }
0x130: {  	v6 =	vadd.f32 v11, v7;
	v1 =	vld [tilespmem:s22+$0x70];
	[tilespmem:s24+$0x120] =	vst v5  }
0x131: {  	v0 =	vld [tilespmem:s22+$0xB0]  }
0x132: {  	[tilespmem:s24+$0xFFFFFE30] =	vst v6;
	v6 =	vld [tilespmem:s24+$0xFFFFFEB0]  }
.Ltmp4:
0x133: {  	v9 =	vld [tilespmem:s24+$0xFFFFFF30];
	(pc) =	sbr.rel @p0 .LBB2_7-.Ltmp4, $4  }
0x134: {  	v8 =	vld [tilespmem:s24+$0xFFFFFFB0]  }
0x135: {  	v7 =	vld [tilespmem:s24+$0x30]  }
0x136: {  	v5 =	vld [tilespmem:s24+$0xB0]  }
0x137: {  	s24 =	sadd.s32 $0x400, s24;
	v10 =	vadd.f32 v12, v6;
	v6 =	vld [tilespmem:s21+$0x130]  }
0x138: {  	v4 =	vadd.f32 v4, v9  }
0x139: {  	s20 =	sadd.s32 s20, s3;
	[tilespmem:s21+$0xFFFFFEB0] =	vst v10;
	v3 =	vadd.f32 v3, v8  }
0x13a: {  	s20 =	smul.u32 $0x640, s20;
	[tilespmem:s21+$0xFFFFFF30] =	vst v4;
	v2 =	vadd.f32 v2, v7  }
0x13b: {  	[tilespmem:s21+$0xFFFFFFB0] =	vst v3;
	v1 =	vadd.f32 v1, v5  }
0x13c: {  	s20 =	sadd.s32 s2, s20;
	[tilespmem:s21+$0x30] =	vst v2;
	v0 =	vadd.f32 v0, v6  }
0x13d: {  	s22 =	simm.s32 $0xC800;
	s20 =	sadd.s32 $0x640, s20;
	[tilespmem:s21+$0xB0] =	vst v1  }
0x13e: {  	s23 =	simm.s32 $0xC880;
	s24 =	sadd.s32 $0x0, s20;
	[tilespmem:s21+$0x130] =	vst v0;
	s21 =	simm.s32 $0x8  }
.LBB2_9:
0x13f: {  	[hbm4b:s24+s4] =	stream.linear.scatter [tilespmem:s22], [sflag:$0x4], $0x40, $0x38;
	[tilespmem:$0x15E00] =	vst v63  }
0x140: {  	s24 =	smov.u32 s21;
	s22 =	smov.u32 s23;
	p0 =	sne.s32 s21, $0x638  }
.Ltmp5:
0x141: {  	s21 =	sadd.s32 $0x8, s21;
	(pc) =	sbr.rel @p0 .LBB2_9-.Ltmp5, $2  }
0x142: {  	_ =	sdelay $0x2  }
0x143: {  	s23 =	sadd.s32 $0x80, s23;
	s24 =	sadd.s32 s24, s20  }
0x144: {  	p0 =	seq.s32 s19, $0x3F  }
.Ltmp6:
0x145: {  	_ = 	snop;
	(pc) =	sbr.rel @p0 .LBB2_12-.Ltmp6, $4  }
0x146: {  	[hbm4b:s24+s4] =	stream.linear.scatter [tilespmem:s22], [sflag:$0x4], $0x40, $0x38;
	[tilespmem:$0x15E00] =	vst v63  }
0x147: {  	_ =	swait.ge [sflag:s16], $0x3200  }
0x148: {  	[sflag:s16] =	ssyncset.done $0x0  }
0x149: {  	[sflag:s16] =	ssyncadd.s32 $0xFFFFCE00  }
0x14a: {  	s20 =	smul.u32 $0x640, s19  }
.Ltmp7:
0x14b: {  	_ = 	snop;
	(pc) =	sbr.rel .LBB2_2-.Ltmp7, $4  }
0x14c: {  	_ = 	snop  }
0x14d: {  	s20 =	sshra.s32 s20, $0x2  }
0x14e: {  	s19 =	sadd.s32 $0x1, s19;
	s20 =	sadd.s32 $0x190, s20  }
0x14f: {  	[tilespmem:s12], [sflag:$0x1] =	stream.indirect.gather [hbm4b:s5+s11], $0x80, s20, s11, $0xb8;
	[tilespmem:$0x15E00] =	vst v63  }
.LBB2_13:
0x150: {  	_ =	sfence.sel $0x180000  }
0x151: {  	[bflag:$0x0] =	sbarrier.arrive $0xFFFF  }
0x152: {  	p0 =	sne.s32 s0, $0x0;
	_ =	strace $0x90000047  }
0x153: {  	s0 =	sadd.s32 @!p0 $0x100000, s1;
	[bflag:$0x2] =	sbarrier.arrive $0xFFFF  }
0x154: {  	[sflag:s0] =	ssyncadd.tile.s32 @!p0 $0x1;
	_ =	shalt  }
.Lfunc_end2:
_tile_overlayer_lowered:
.L_overlay_start_2:
0x155: {  	(tag) =	ssettag $0x2  }
0x156: {  	s0 =	rddreg [dreg:$0x0];
	s2 =	stileid.u32  }
0x157: {  	s1 =	rddreg [dreg:$0x1];
	p0 =	sne.s32 s2, $0x0  }
0x158: {  	s3 =	rddreg [dreg:$0x2];
	[bflag:$0x3] =	sbarrier.arrive $0xFFFF;
	s2 =	simm.s32 @!p0 $0x1C05  }
0x159: {  	[timem:s3], [sflag:s2] =	dma.local @!p0 [hbm:s0], s1  }
0x15a: {  	s0 =	simm.s32 @!p0 $0x5  }
0x15b: {  	_ =	swait.ge @!p0 [sflag:s0], s1  }
0x15c: {  	s1 =	ssub.s32 @!p0 $0x0, s1;
	[sflag:s0] =	ssyncset.done @!p0 $0x0  }
0x15d: {  	[sflag:s0] =	ssyncadd.s32 @!p0 s1  }
0x15e: {  	[bflag:$0x3] =	sbarrier.arrive $0xFFFF  }
0x15f: {  	_ =	shalt  }

// kernel: sparse-core-data-format-call.cloned.1.call-start
scs
called_computation_lowered:
.L_overlay_start_0:
0x0: {  	s2 =	sld [smem:$0x3FD9]  }
0x1: {  	s3 =	sld [smem:$0x3FFE];
	_ =	sdelay $0x1  }
0x2: {  	s1 =	srdreg.scid  }
0x3: {  	s0 =	sand.u32 $0x1, s1  }
0x4: {  	s18 =	sshll.u32 s0, $0xA;
	s2 =	sadd.s32 s3, s2  }
0x5: {  	s2 =	sadd.s32 s2, s18  }
0x6: {  	[smem:$0x3FC5] =	sst s2  }
0x7: {  	_ = 	snop  }
0x8: {  	s2 =	sld [smem:$0x3FD0];
	(tm) =	ssettm $0x1  }
0x9: {  	s19 =	sld [smem:$0x3FFB];
	_ =	sdelay $0x3  }
0xa: {  	_ =	strace s19  }
0xb: {  	s3 =	sld [smem:$0x3FFC];
	_ =	sdelay $0x3  }
0xc: {  	_ =	strace s3  }
0xd: {  	s3 =	sld [smem:$0x3FFD];
	_ =	sdelay $0x3  }
0xe: {  	_ =	strace s3  }
0xf: {  	_ =	strace $0x8FFFFFFF  }
0x10: {  	s20 =	sld [smem:$0x3FDB];
	_ =	sdelay $0x1  }
0x11: {  	s4 =	simm.s32 $_scs_section_size  }
0x12: {  	s5 =	simm.s32 $_size__tile_overlayer_lowered;
	s6 =	simm.s32 $_tile_overlayer_lowered  }
0x13: {  	s23 =	simm.s32 $0x1BFF;
	s22 =	sshll.u32 s6, $0x1;
	s3 =	sadd.s32 s4, s20  }
0x14: {  	s7 =	simm.s32 $0x0;
	s21 =	sshll.u32 s5, $0x1;
	s5 =	sadd.s32 s22, s3  }
0x15: {  	[timem:s7], [sflag:s23] =	dma.local [hbm:s5], s21  }
0x16: {  	_ =	swait.ge [sflag:s23], s21  }
0x17: {  	s4 =	ssub.s32 $0x0, s21;
	[sflag:s23] =	ssyncset.done $0x0  }
0x18: {  	[sflag:s23] =	ssyncadd.s32 s4;
	_ =	sdelay $0x1  }
0x19: {  	s24 =	simm.s32 $0x1B8B  }
0x1a: {  	_ =	swait.ge [sflag:s24], $0x1  }
0x1b: {  	[sflag:s24] =	ssyncset.done $0x0  }
0x1c: {  	s26 =	simm.s32 $0x1B8E;
	s25 =	sld [smem:$0x3FFE];
	[sflag:s24] =	ssyncadd.s32 $0xFFFFFFFF  }
0x1d: {  	s27 =	simm.s32 $execute0_lowered;
	[smem:$0x3FD2] =	sst s26  }
0x1e: {  	s5 =	sshll.u32 s27, $0x1;
	_ =	strace $0x80000049;
	[dreg:$0x1] =	wrdreg $0xFFFFFFFF  }
0x1f: {  	s28 =	simm.s32 $_size_execute0_lowered;
	s3 =	sadd.s32 s3, s5;
	[dreg:$0x0] =	wrdreg $0x0  }
0x20: {  	s5 =	sshll.u32 s28, $0x1;
	[dreg:$0x2] =	wrdreg s3  }
0x21: {  	[dreg:$0x3] =	wrdreg s5  }
0x22: {  	[dreg:$0x4] =	wrdreg $0xC0  }
0x23: {  	_ =	task [dreg:s7], $0x5FFFF  }
0x24: {  	[dreg:$0x1] =	wrdreg $0xFFFFFFFF  }
0x25: {  	[dreg:$0x0] =	wrdreg $0x60  }
0x26: {  	[dreg:$0x2] =	wrdreg s25  }
0x27: {  	[dreg:$0x3] =	wrdreg s2  }
0x28: {  	[dreg:$0x4] =	wrdreg $0x9  }
0x29: {  	_ =	task.clear_ibuf [dreg:s7], $0x5FFFF;
	_ =	strace $0x90000049  }
0x2a: {  	s29 =	simm.s32 $0x9;
	_ =	strace $0x8000004B  }
0x2b: {  	_ =	swait.ge [sflag:s29], $0x1  }
0x2c: {  	[sflag:s29] =	ssyncadd.s32 $0xFFFFFFFF  }
0x2d: {  	_ =	strace $0x9000004B  }
0x2e: {  	_ =	sfence  }
0x2f: {  	s30 =	sld [smem:$0x0];
	_ =	sdelay $0x2  }
0x30: {  	s31 =	sshll.u32 s1, $0xD;
	s1 =	sshrl.u32 s1, $0x2  }
0x31: {  	s3 =	sand.u32 $0x4000, s31;
	s1 =	sadd.s32 s1, s30  }
0x32: {  	s0 =	sor.u32 s3, s0;
	s1 =	sshll.u32 s1, $0x11  }
0x33: {  	s0 =	sor.u32 s1, s0  }
0x34: {  	s0 =	sadd.s32 $0x8F2B, s0  }
0x35: {  	[sflag:s0] =	ssyncadd.remote.s32 $0x1  }
0x36: {  	_ =	sfence.sel $0xFFFF  }
0x37: {  	[dreg:$0x0] =	wrdreg $0xFFFFFFFF;
	(pc) =	sbr.abs _section_cstart, $3  }
0x38: {  	[dreg:$0x1] =	wrdreg $0xFFFFFFFF  }
0x39: {  	_ =	task.clear_ibuf [dreg:s7], $0x2FFFF;
	_ =	strace $0x9FFFFFFF  }
0x3a: {  	(tm) =	ssettm $0x7FFFFFFF  }
0x3b: {  	_ =	shalt  }
tec
execute0_lowered:
.L_overlay_start_1:
0x0: {  	(tag) =	ssettag $0x1  }
0x1: {  	s0 =	srdreg.scid  }
0x2: {  	s1 =	sshll.u32 s0, $0x4  }
0x3: {  	s0 =	stileid.u32;
	s1 =	sand.u32 $0x10, s1  }
0x4: {  	s1 =	sor.u32 s0, s1  }
0x5: {  	s6 =	rddreg [dreg:$0x0];
	s4 =	simm.s32 $0x1;
	s2 =	sshll.u32 s1, $0x7  }
0x6: {  	s7 =	simm.s32 $0x2;
	s12 =	simm.s32 $0x0;
	s1 =	ssub.s32 $0x1000, s2  }
0x7: {  	s8 =	simm.s32 $0x8000;
	s13 =	simm.s32 $0x0;
	s3 =	sand.u32 $0xF80, s1  }
0x8: {  	s9 =	simm.s32 $0x0;
	s5 =	sshrl.u32 s1, $0xC;
	p0 =	sne.s32 s3, $0x0  }
.Ltmp0:
0x9: {  	s1 =	rddreg [dreg:$0x2];
	s4 =	simm.s32 @!p0 $0x0;
	(pc) =	sbr.rel .LBB1_1-.Ltmp0, $4  }
0xa: {  	s11 =	simm.s32 $0x0;
	s3 =	rddreg [dreg:$0x1];
	s5 =	sadd.s32 s4, s5  }
0xb: {  	_ =	strace $0x8000004A;
	s4 =	simm.s32 $0x1;
	s5 =	smul.u32 $0xC8, s5  }
0xc: {  	s6 =	sadd.s32 $0xC00, s6;
	s10 =	smov.u32 s2;
	[sflag:s4] =	ssyncpa.u1 $0x0  }
0xd: {  	p0 =	por $0x0, $0x0;
	[sflag:s7] =	ssyncpa.u1 $0x0;
	s7 =	sor.u32 $0x1, s5  }
.LBB1_4:
0xe: {  	s16 =	sshll.u32 s13, $0x3;
	s17 =	sand.u32 $0x78, s13  }
0xf: {  	s30 =	sand.u32 $0x7E00, s13;
	s12 =	sshll.u32 s12, $0xF;
	s16 =	sand.u32 $0xC00, s16  }
0x10: {  	[tilespmem:s15+$0x810 ss:$0x81] =	vst.msk $0xffff, v2;
	s31 =	sand.u32 $0x7, s13;
	s16 =	sor.u32 s17, s16;
	s17 =	sadd.s32 s3, s30  }
0x11: {  	[tilespmem:s15+$0x1020 ss:$0x81] =	vst.msk $0xffff, v0;
	s13 =	sshll.u32 s31, $0x12;
	s12 =	sadd.s32 s12, s17;
	s16 =	sshrl.u32 s16, $0x3  }
0x12: {  	[tilespmem:s15+$0x0 ss:$0x81] =	vst.msk $0xffff, v1;
	s13 =	sor.u32 $0x400, s13;
	s12 =	sadd.s32 s16, s12  }
0x13: {  	[hbm4b:s12+s13] =	stream.strided.scatter [tilespmem:s14], [sflag:$0x2], $0x2000, s8, s13, $0x20;
	[tilespmem:$0x8080] =	vst v63  }
.LBB1_5:
0x14: {  	s14 =	sadd.s32 $0x1, s9  }
0x15: {  	s12 =	sadd.s32 $0x1000, s10;
	s16 =	smov.u32 s10;
	p2 =	sgt.s32 s14, $0xC7  }
0x16: {  	s16 =	smov.u32 @p2 s12  }
0x17: {  	s14 =	simm.s32 @p2 $0x0;
	p2 =	sgt.s32 s16, $0xFFF  }
0x18: {  	s16 =	smov.u32 @p2 s2;
	p2 =	sne.s32 s11, s7  }
.Ltmp1:
0x19: {  	p1 =	slt.u32 s11, $0x2;
	(pc) =	sbr.rel @!p2 .LBB1_6-.Ltmp1, $4  }
0x1a: {  	s15 =	simm.s32 @!p1 $0x2  }
0x1b: {  	s13 =	smov.u32 s10;
	p0 =	por !p0, !p0;
	_ =	swait.ge @!p1 [sflag:s15], $0x2000  }
0x1c: {  	s12 =	smov.u32 s9;
	[sflag:s15] =	ssyncset.done @!p1 $0x0;
	s9 =	smov.u32 s14  }
0x1d: {  	s11 =	sadd.s32 $0x1, s11;
	[sflag:s15] =	ssyncadd.s32 @!p1 $0xFFFFE000;
	s10 =	smov.u32 s16  }
.LBB1_1:
0x1e: {  	p1 =	sge.u32 s11, s5  }
0x1f: {  	s14 =	sand.u32 @!p1 $0x1FFFFFF, s9  }
0x20: {  	s15 =	smulhi.u32 @!p1 $0x147AE15, s14;
	_ =	sdelay $0x1  }
0x21: {  	s15 =	smul.u32 @!p1 $0xC8, s15  }
0x22: {  	s16 =	sxor.u32 @!p1 $0xFFFFFFFF, s11;
	s17 =	smul.u32 @!p1 $0xC80, s10  }
0x23: {  	s31 =	sadd.s32 $0xFFFFFFFF, s11;
	s16 =	sshll.u32 @!p1 s16, $0xD;
	s14 =	ssub.s32 @!p1 s14, s15  }
0x24: {  	s15 =	sand.u32 @!p1 $0x2000, s16;
	s16 =	sadd.s32 @!p1 s6, s17;
	s14 =	sshll.u32 @!p1 s14, $0x4  }
0x25: {  	s17 =	simm.s32 @!p1 $0x6400;
	s14 =	sadd.s32 @!p1 s14, s16;
	s16 =	simm.s32 @!p1 $0x40  }
0x26: {  	[tilespmem:s15], [sflag:$0x1] =	stream.strided.gather @!p1 [hbm4b:s14+s16], $0x2000, s17, s16, $0x38;
	[tilespmem:$0x8080] =	vst v63  }
0x27: {  	p1 =	sge.u32 s31, s5  }
.Ltmp2:
0x28: {  	_ = 	snop;
	(pc) =	sbr.rel @p1 .LBB1_5-.Ltmp2, $1  }
0x29: {  	_ =	sdelay $0x3  }
0x2a: {  	s14 =	simm.s32 $0x1  }
0x2b: {  	_ =	swait.ge [sflag:s4], $0x2000;
	s14 =	simm.s32 @!p0 $0x0  }
0x2c: {  	[sflag:s4] =	ssyncset.done $0x0;
	s15 =	sshll.u32 s14, $0xD  }
0x2d: {  	[sflag:s4] =	ssyncadd.s32 $0xFFFFE000;
	s18 =	sor.u32 $0x20, s15  }
0x2e: {  	s14 =	smul.u32 $0x8100, s14;
	v3 =	vld [tilespmem:s18+$0x10]  }
0x2f: {  	s30 =	sand.u32 $0x1, s11;
	v2 =	vld [tilespmem:s18+$0xFFFFFFF0]  }
0x30: {  	s15 =	smul.u32 $0x8100, s30;
	s14 =	sshrl.u32 s14, $0x2;
	v0 =	vld [tilespmem:s18+$0x0]  }
0x31: {  	v1 =	vld [tilespmem:s18+$0xFFFFFFE0];
	s16 =	sor.u32 $0x4000, s14  }
0x32: {  	s31 =	sshrl.u32 s15, $0x2;
	s15 =	sadd.s32 $0x0, s16  }
0x33: {  	s17 =	simm.s32 $0x4;
	s18 =	sadd.s32 $0x40, s18;
	s14 =	sor.u32 $0x4000, s31;
	[tilespmem:s15+$0x1830 ss:$0x81] =	vst.msk $0xffff, v3  }
.LBB1_3:
0x34: {  	v3 =	vld [tilespmem:s18+$0x10];
	p1 =	sne.s32 s17, $0x1FC;
	[tilespmem:s15+$0x810 ss:$0x81] =	vst.msk $0xffff, v2;
	s19 =	smov.u32 s17;
	s17 =	sadd.s32 $0x4, s17  }
.Ltmp3:
0x35: {  	v2 =	vld [tilespmem:s18+$0xFFFFFFF0];
	[tilespmem:s15+$0x1020 ss:$0x81] =	vst.msk $0xffff, v0;
	(pc) =	sbr.rel @p1 .LBB1_3-.Ltmp3, $4  }
0x36: {  	v0 =	vld [tilespmem:s18+$0x0];
	[tilespmem:s15+$0x0 ss:$0x81] =	vst.msk $0xffff, v1  }
0x37: {  	s15 =	sshra.s32 s19, $0x2;
	v1 =	vld [tilespmem:s18+$0xFFFFFFE0]  }
0x38: {  	s15 =	sadd.s32 s15, s16  }
0x39: {  	s18 =	sadd.s32 $0x40, s18;
	[tilespmem:s15+$0x1830 ss:$0x81] =	vst.msk $0xffff, v3  }
.Ltmp4:
0x3a: {  	_ = 	snop;
	(pc) =	sbr.rel .LBB1_4-.Ltmp4, $1  }
0x3b: {  	_ =	sdelay $0x3  }
.LBB1_6:
0x3c: {  	_ =	sfence.sel $0x180000  }
0x3d: {  	s2 =	simm.s32 $0x1;
	[bflag:$0x0] =	sbarrier.arrive $0xFFFF  }
0x3e: {  	s31 =	simm.s32 $0x2;
	[sflag:s2] =	ssyncpa.u1 $0x1  }
0x3f: {  	[sflag:s31] =	ssyncpa.u1 $0x1  }
0x40: {  	p0 =	sne.s32 s0, $0x0;
	_ =	strace $0x9000004A  }
0x41: {  	s0 =	sadd.s32 @!p0 $0x100000, s1;
	[bflag:$0x2] =	sbarrier.arrive $0xFFFF  }
0x42: {  	[sflag:s0] =	ssyncadd.tile.s32 @!p0 $0x1;
	_ =	shalt  }
.Lfunc_end1:
_tile_overlayer_lowered:
.L_overlay_start_2:
0x43: {  	(tag) =	ssettag $0x2  }
0x44: {  	s0 =	rddreg [dreg:$0x0];
	s2 =	stileid.u32  }
0x45: {  	s1 =	rddreg [dreg:$0x1];
	p0 =	sne.s32 s2, $0x0  }
0x46: {  	s3 =	rddreg [dreg:$0x2];
	[bflag:$0x3] =	sbarrier.arrive $0xFFFF;
	s2 =	simm.s32 @!p0 $0x1C01  }
0x47: {  	[timem:s3], [sflag:s2] =	dma.local @!p0 [hbm:s0], s1  }
0x48: {  	s0 =	simm.s32 @!p0 $0x1  }
0x49: {  	_ =	swait.ge @!p0 [sflag:s0], s1  }
0x4a: {  	s1 =	ssub.s32 @!p0 $0x0, s1;
	[sflag:s0] =	ssyncset.done @!p0 $0x0  }
0x4b: {  	[sflag:s0] =	ssyncadd.s32 @!p0 s1  }
0x4c: {  	[bflag:$0x3] =	sbarrier.arrive $0xFFFF  }
0x4d: {  	_ =	shalt  }

</sc_bundles>
